<compile_context>
chip_gen: v7x
topology: tpu7x:2x2x1
jax: 0.10.2.dev20260603
libtpu: 0.0.44.dev20260713+nightly
codegen_flags: <defaults>
</compile_context>

<pallas_src>
import functools

import jax
import jax.numpy as jnp
from jax import lax
from jax.experimental import pallas as pl
from jax.experimental.pallas import tpu as pltpu
from jax.experimental.pallas import tpu_sc as plsc

N = 10000
E = 320000
F = 128
D = 128
G = 512

NC = 2
NS = 16
NW = NC * NS

CHUNK = 128
EPT = 10112
E_PAD = EPT * NW
N_PAD = 10240
ROWS_PER_TILE = N_PAD // NS
TRASH_ROW = N

BLK = 400
NBLK = N // BLK



def _sc_agg_body(h_hbm, src_hbm, dst_hbm, zero_hbm, out_hbm,
                 src_idx, dst_idx, rows, zbuf, agg_sh, sem):
    c = lax.axis_index("c")
    s = lax.axis_index("s")
    wid = c * NS + s

    pltpu.sync_copy(zero_hbm, zbuf)
    for j in range(ROWS_PER_TILE // CHUNK):
        pltpu.sync_copy(zbuf, agg_sh.at[pl.ds(s * ROWS_PER_TILE + j * CHUNK, CHUNK)])
    plsc.subcore_barrier()

    ebase = wid * EPT

    def body(j, carry):
        off = ebase + j * CHUNK
        pltpu.sync_copy(src_hbm.at[pl.ds(off, CHUNK)], src_idx)
        pltpu.sync_copy(dst_hbm.at[pl.ds(off, CHUNK)], dst_idx)
        pltpu.async_copy(h_hbm.at[src_idx], rows, sem).wait()
        pltpu.sync_copy(rows, agg_sh.at[dst_idx], add=True)
        return carry

    lax.fori_loop(0, EPT // CHUNK, body, 0)
    plsc.subcore_barrier()

    pltpu.sync_copy(agg_sh.at[pl.ds(s * ROWS_PER_TILE, ROWS_PER_TILE)],
                    out_hbm.at[c].at[pl.ds(s * ROWS_PER_TILE, ROWS_PER_TILE)])


_sc_agg = pl.kernel(
    _sc_agg_body,
    out_type=jax.ShapeDtypeStruct((NC, N_PAD, D), jnp.float32),
    mesh=plsc.VectorSubcoreMesh(core_axis_name="c", subcore_axis_name="s"),
    scratch_types=[
        pltpu.VMEM((CHUNK,), jnp.int32),
        pltpu.VMEM((CHUNK,), jnp.int32),
        pltpu.VMEM((CHUNK, D), jnp.float32),
        pltpu.VMEM((CHUNK, D), jnp.float32),
        pltpu.VMEM_SHARED((N_PAD, D), jnp.float32),
        pltpu.SemaphoreType.DMA,
    ],
)



def _tc_mlp_body(h_ref, agg_ref, batch_ref, w1_ref, b1_ref, w2_ref, b2_ref,
                 hout_ref, pool_ref):
    i = pl.program_id(0)
    z = h_ref[...] + agg_ref[0] + agg_ref[1]
    z1 = jnp.maximum(
        jnp.dot(z, w1_ref[...], preferred_element_type=jnp.float32) + b1_ref[...],
        0.0)
    h2 = jnp.maximum(
        jnp.dot(z1, w2_ref[...], preferred_element_type=jnp.float32) + b2_ref[...],
        0.0)
    hout_ref[...] = h2

    seg = batch_ref[0, 0, :]
    onehot = (seg[None, :] == lax.broadcasted_iota(jnp.int32, (G, BLK), 0)
              ).astype(jnp.float32)
    contrib = jnp.dot(onehot, h2, preferred_element_type=jnp.float32)

    @pl.when(i == 0)
    def _():
        pool_ref[...] = jnp.zeros_like(pool_ref)

    pool_ref[...] += contrib


_tc_mlp = pl.pallas_call(
    _tc_mlp_body,
    grid=(NBLK,),
    in_specs=[
        pl.BlockSpec((BLK, D), lambda i: (i, 0)),
        pl.BlockSpec((NC, BLK, D), lambda i: (0, i, 0)),
        pl.BlockSpec((1, 1, BLK), lambda i: (i, 0, 0)),
        pl.BlockSpec((D, D), lambda i: (0, 0)),
        pl.BlockSpec((1, D), lambda i: (0, 0)),
        pl.BlockSpec((D, D), lambda i: (0, 0)),
        pl.BlockSpec((1, D), lambda i: (0, 0)),
    ],
    out_specs=[
        pl.BlockSpec((BLK, D), lambda i: (i, 0)),
        pl.BlockSpec((G, D), lambda i: (0, 0)),
    ],
    out_shape=[
        jax.ShapeDtypeStruct((N, D), jnp.float32),
        jax.ShapeDtypeStruct((G, D), jnp.float32),
    ],
)


def kernel(x, edge_index, batch, W1_0, b1_0, W2_0, b2_0, W1_1, b1_1, W2_1,
           b2_1, W1_2, b1_2, W2_2, b2_2):
    src = edge_index[0]
    dst = edge_index[1]
    pad = E_PAD - E
    src_p = jnp.concatenate([src, jnp.zeros((pad,), jnp.int32)])
    dst_p = jnp.concatenate([dst, jnp.full((pad,), TRASH_ROW, jnp.int32)])
    zeros128 = jnp.zeros((CHUNK, D), jnp.float32)
    batch3 = batch.reshape(NBLK, 1, BLK)

    params = [
        (W1_0, b1_0.reshape(1, D), W2_0, b2_0.reshape(1, D)),
        (W1_1, b1_1.reshape(1, D), W2_1, b2_1.reshape(1, D)),
        (W1_2, b1_2.reshape(1, D), W2_2, b2_2.reshape(1, D)),
    ]

    h = x
    xs = []
    pools = []
    for (W1, b1, W2, b2) in params:
        agg = _sc_agg(h, src_p, dst_p, zeros128)
        h, pool = _tc_mlp(h, agg, batch3, W1, b1, W2, b2)
        xs.append(h)
        pools.append(pool)

    return (jnp.concatenate(pools, axis=1), jnp.concatenate(xs, axis=1))

# --- scband reference (transcript-rebuilt; emitter-appended) ---
"""Pipeline reference for scband-encoder-gin-30013231464612 (READ-ONLY COPY).

The authoritative reference and input builder live on the scoring server;
editing this copy changes nothing except your own understanding.
"""

import jax, jax.numpy as jnp
import numpy as np

N = 10000
E = 320000
F = 128
D = 128
L = 3
G = 512


def setup_inputs(seed: int = 0) -> dict:
    key = jax.random.key(seed)
    ks = jax.random.split(key, 3 + 4 * L)
    inp = {}
    inp["x"] = jax.random.normal(ks[0], (N, F), dtype=jnp.float32)
    inp["edge_index"] = jax.random.randint(ks[1], (2, E), 0, N, dtype=jnp.int32)
    inp["batch"] = jnp.sort(jax.random.randint(ks[2], (N,), 0, G, dtype=jnp.int32))
    ki = 3
    for l in range(L):
        in_dim = F if l == 0 else D
        s1 = 1.0 / np.sqrt(in_dim)
        s2 = 1.0 / np.sqrt(D)
        inp[f"W1_{l}"] = jax.random.uniform(ks[ki], (in_dim, D), dtype=jnp.float32, minval=-s1, maxval=s1)
        inp[f"b1_{l}"] = jax.random.uniform(ks[ki + 1], (D,), dtype=jnp.float32, minval=-s1, maxval=s1)
        inp[f"W2_{l}"] = jax.random.uniform(ks[ki + 2], (D, D), dtype=jnp.float32, minval=-s2, maxval=s2)
        inp[f"b2_{l}"] = jax.random.uniform(ks[ki + 3], (D,), dtype=jnp.float32, minval=-s2, maxval=s2)
        ki += 4
    return inp


def reference(x, edge_index, batch, W1_0, b1_0, W2_0, b2_0, W1_1, b1_1, W2_1, b2_1, W1_2, b1_2, W2_2, b2_2):
    # GINConv (eps=0): h' = MLP((1+eps)*h + sum_{j in N(i)} h_j)
    src = edge_index[0]
    dst = edge_index[1]
    params = [(W1_0, b1_0, W2_0, b2_0), (W1_1, b1_1, W2_1, b2_1), (W1_2, b1_2, W2_2, b2_2)]
    h = x
    xs = []
    for (W1, b1, W2, b2) in params:
        msgs = jnp.take(h, src, axis=0)
        agg = jax.ops.segment_sum(msgs, dst, num_segments=N)
        z = h + agg
        z = jnp.maximum(z @ W1 + b1, 0.0) @ W2 + b2
        h = jnp.maximum(z, 0.0)  # F.relu applied after each conv in Encoder_GIN.forward
        xs.append(h)
    xpool = [jax.ops.segment_sum(hh, batch, num_segments=G) for hh in xs]
    return (jnp.concatenate(xpool, axis=1), jnp.concatenate(xs, axis=1))

if __name__ == "__main__":
    import jax
    _d = setup_inputs()
    print(jax.jit(kernel)(*tuple(_d.values())))

</pallas_src>

<mosaic_0001>
#map = affine_map<(d0, d1) -> (0, 0)>
#map1 = affine_map<(d0, d1) -> (0)>
#map2 = affine_map<(d0, d1) -> (0, 0, 0)>
module attributes {stable_mosaic.version = 14 : i64} {
  func.func @_sc_agg_body(%arg0: i32, %arg1: i32, %arg2: memref<10000x128xf32, #tpu.memory_space<hbm>>, %arg3: memref<323584xi32, #tpu.memory_space<hbm>>, %arg4: memref<323584xi32, #tpu.memory_space<hbm>>, %arg5: memref<128x128xf32, #tpu.memory_space<hbm>>, %arg6: memref<2x10240x128xf32, #tpu.memory_space<hbm>>, %arg7: memref<128xi32, #tpu.memory_space<vmem>>, %arg8: memref<128xi32, #tpu.memory_space<vmem>>, %arg9: memref<128x128xf32, #tpu.memory_space<vmem>>, %arg10: memref<128x128xf32, #tpu.memory_space<vmem>>, %arg11: memref<10240x128xf32, #tpu.memory_space<vmem_shared>>, %arg12: memref<!tpu.dma_semaphore, #tpu.memory_space<semaphore_mem>>) attributes {dimension_semantics = [#tpu.dimension_semantics<core_parallel>, #tpu.dimension_semantics<subcore_parallel>], iteration_bounds = array<i64: 2, 16>, scalar_prefetch = 0 : i64, scratch_operands = 6 : i64, tpu.core_type = #tpu.core_type<sc_vector_subcore>, window_params = [{transform_indices = #map}, {transform_indices = #map1}, {transform_indices = #map1}, {transform_indices = #map}, {transform_indices = #map2}]} {
    %mul3A = arith.constant 16 : i32
    %mul3A_0 = arith.muli %arg0, %mul3A : i32
    %add3A = arith.addi %mul3A_0, %arg1 : i32
    "tpu.region"() ({
      %run_scoped3A = tpu.sem_alloc : memref<!tpu.dma_semaphore, #tpu.memory_space<semaphore_mem>>
      tpu.enqueue_dma source(%arg5 : memref<128x128xf32, #tpu.memory_space<hbm>>) target(%arg10 : memref<128x128xf32, #tpu.memory_space<vmem>>) target_semaphore(%run_scoped3A : memref<!tpu.dma_semaphore, #tpu.memory_space<semaphore_mem>>)
      tpu.wait_dma2 semaphore(%run_scoped3A : memref<!tpu.dma_semaphore, #tpu.memory_space<semaphore_mem>>) src(%arg5 : memref<128x128xf32, #tpu.memory_space<hbm>>) dst(%arg10 : memref<128x128xf32, #tpu.memory_space<vmem>>)
      tpu.yield
    }) : () -> ()
    %mul3A_1 = arith.constant 640 : i32
    %mul3A_2 = arith.muli %arg1, %mul3A_1 : i32
    %add3A_3 = arith.constant 0 : i32
    %add3A_4 = arith.addi %mul3A_2, %add3A_3 : i32
    "tpu.region"() ({
      %run_scoped3A = tpu.sem_alloc : memref<!tpu.dma_semaphore, #tpu.memory_space<semaphore_mem>>
      %dma_start3A = arith.constant 0 : i32
      %dma_start3A_33 = tpu.memref_slice %arg11[%add3A_4, %dma_start3A] : memref<10240x128xf32, #tpu.memory_space<vmem_shared>> -> memref<128x128xf32, #tpu.memory_space<vmem_shared>>
      %dma_start3A_34 = arith.constant 0 : i32
      %dma_start3A_35 = tpu.memref_slice %arg11[%add3A_4, %dma_start3A_34] : memref<10240x128xf32, #tpu.memory_space<vmem_shared>> -> memref<128x128xf32, #tpu.memory_space<vmem_shared>>
      tpu.enqueue_dma source(%arg10 : memref<128x128xf32, #tpu.memory_space<vmem>>) target(%dma_start3A_35 : memref<128x128xf32, #tpu.memory_space<vmem_shared>>) target_semaphore(%run_scoped3A : memref<!tpu.dma_semaphore, #tpu.memory_space<semaphore_mem>>)
      %dma_wait3A = arith.constant 0 : i32
      %dma_wait3A_36 = tpu.memref_slice %arg11[%add3A_4, %dma_wait3A] : memref<10240x128xf32, #tpu.memory_space<vmem_shared>> -> memref<128x128xf32, #tpu.memory_space<vmem_shared>>
      %dma_wait3A_37 = arith.constant 0 : i32
      %dma_wait3A_38 = tpu.memref_slice %arg11[%add3A_4, %dma_wait3A_37] : memref<10240x128xf32, #tpu.memory_space<vmem_shared>> -> memref<128x128xf32, #tpu.memory_space<vmem_shared>>
      tpu.wait_dma2 semaphore(%run_scoped3A : memref<!tpu.dma_semaphore, #tpu.memory_space<semaphore_mem>>) src(%arg10 : memref<128x128xf32, #tpu.memory_space<vmem>>) dst(%dma_wait3A_38 : memref<128x128xf32, #tpu.memory_space<vmem_shared>>)
      tpu.yield
    }) : () -> ()
    %mul3A_5 = arith.constant 640 : i32
    %mul3A_6 = arith.muli %arg1, %mul3A_5 : i32
    %add3A_7 = arith.constant 128 : i32
    %add3A_8 = arith.addi %mul3A_6, %add3A_7 : i32
    "tpu.region"() ({
      %run_scoped3A = tpu.sem_alloc : memref<!tpu.dma_semaphore, #tpu.memory_space<semaphore_mem>>
      %dma_start3A = arith.constant 0 : i32
      %dma_start3A_33 = tpu.memref_slice %arg11[%add3A_8, %dma_start3A] : memref<10240x128xf32, #tpu.memory_space<vmem_shared>> -> memref<128x128xf32, #tpu.memory_space<vmem_shared>>
      %dma_start3A_34 = arith.constant 0 : i32
      %dma_start3A_35 = tpu.memref_slice %arg11[%add3A_8, %dma_start3A_34] : memref<10240x128xf32, #tpu.memory_space<vmem_shared>> -> memref<128x128xf32, #tpu.memory_space<vmem_shared>>
      tpu.enqueue_dma source(%arg10 : memref<128x128xf32, #tpu.memory_space<vmem>>) target(%dma_start3A_35 : memref<128x128xf32, #tpu.memory_space<vmem_shared>>) target_semaphore(%run_scoped3A : memref<!tpu.dma_semaphore, #tpu.memory_space<semaphore_mem>>)
      %dma_wait3A = arith.constant 0 : i32
      %dma_wait3A_36 = tpu.memref_slice %arg11[%add3A_8, %dma_wait3A] : memref<10240x128xf32, #tpu.memory_space<vmem_shared>> -> memref<128x128xf32, #tpu.memory_space<vmem_shared>>
      %dma_wait3A_37 = arith.constant 0 : i32
      %dma_wait3A_38 = tpu.memref_slice %arg11[%add3A_8, %dma_wait3A_37] : memref<10240x128xf32, #tpu.memory_space<vmem_shared>> -> memref<128x128xf32, #tpu.memory_space<vmem_shared>>
      tpu.wait_dma2 semaphore(%run_scoped3A : memref<!tpu.dma_semaphore, #tpu.memory_space<semaphore_mem>>) src(%arg10 : memref<128x128xf32, #tpu.memory_space<vmem>>) dst(%dma_wait3A_38 : memref<128x128xf32, #tpu.memory_space<vmem_shared>>)
      tpu.yield
    }) : () -> ()
    %mul3A_9 = arith.constant 640 : i32
    %mul3A_10 = arith.muli %arg1, %mul3A_9 : i32
    %add3A_11 = arith.constant 256 : i32
    %add3A_12 = arith.addi %mul3A_10, %add3A_11 : i32
    "tpu.region"() ({
      %run_scoped3A = tpu.sem_alloc : memref<!tpu.dma_semaphore, #tpu.memory_space<semaphore_mem>>
      %dma_start3A = arith.constant 0 : i32
      %dma_start3A_33 = tpu.memref_slice %arg11[%add3A_12, %dma_start3A] : memref<10240x128xf32, #tpu.memory_space<vmem_shared>> -> memref<128x128xf32, #tpu.memory_space<vmem_shared>>
      %dma_start3A_34 = arith.constant 0 : i32
      %dma_start3A_35 = tpu.memref_slice %arg11[%add3A_12, %dma_start3A_34] : memref<10240x128xf32, #tpu.memory_space<vmem_shared>> -> memref<128x128xf32, #tpu.memory_space<vmem_shared>>
      tpu.enqueue_dma source(%arg10 : memref<128x128xf32, #tpu.memory_space<vmem>>) target(%dma_start3A_35 : memref<128x128xf32, #tpu.memory_space<vmem_shared>>) target_semaphore(%run_scoped3A : memref<!tpu.dma_semaphore, #tpu.memory_space<semaphore_mem>>)
      %dma_wait3A = arith.constant 0 : i32
      %dma_wait3A_36 = tpu.memref_slice %arg11[%add3A_12, %dma_wait3A] : memref<10240x128xf32, #tpu.memory_space<vmem_shared>> -> memref<128x128xf32, #tpu.memory_space<vmem_shared>>
      %dma_wait3A_37 = arith.constant 0 : i32
      %dma_wait3A_38 = tpu.memref_slice %arg11[%add3A_12, %dma_wait3A_37] : memref<10240x128xf32, #tpu.memory_space<vmem_shared>> -> memref<128x128xf32, #tpu.memory_space<vmem_shared>>
      tpu.wait_dma2 semaphore(%run_scoped3A : memref<!tpu.dma_semaphore, #tpu.memory_space<semaphore_mem>>) src(%arg10 : memref<128x128xf32, #tpu.memory_space<vmem>>) dst(%dma_wait3A_38 : memref<128x128xf32, #tpu.memory_space<vmem_shared>>)
      tpu.yield
    }) : () -> ()
    %mul3A_13 = arith.constant 640 : i32
    %mul3A_14 = arith.muli %arg1, %mul3A_13 : i32
    %add3A_15 = arith.constant 384 : i32
    %add3A_16 = arith.addi %mul3A_14, %add3A_15 : i32
    "tpu.region"() ({
      %run_scoped3A = tpu.sem_alloc : memref<!tpu.dma_semaphore, #tpu.memory_space<semaphore_mem>>
      %dma_start3A = arith.constant 0 : i32
      %dma_start3A_33 = tpu.memref_slice %arg11[%add3A_16, %dma_start3A] : memref<10240x128xf32, #tpu.memory_space<vmem_shared>> -> memref<128x128xf32, #tpu.memory_space<vmem_shared>>
      %dma_start3A_34 = arith.constant 0 : i32
      %dma_start3A_35 = tpu.memref_slice %arg11[%add3A_16, %dma_start3A_34] : memref<10240x128xf32, #tpu.memory_space<vmem_shared>> -> memref<128x128xf32, #tpu.memory_space<vmem_shared>>
      tpu.enqueue_dma source(%arg10 : memref<128x128xf32, #tpu.memory_space<vmem>>) target(%dma_start3A_35 : memref<128x128xf32, #tpu.memory_space<vmem_shared>>) target_semaphore(%run_scoped3A : memref<!tpu.dma_semaphore, #tpu.memory_space<semaphore_mem>>)
      %dma_wait3A = arith.constant 0 : i32
      %dma_wait3A_36 = tpu.memref_slice %arg11[%add3A_16, %dma_wait3A] : memref<10240x128xf32, #tpu.memory_space<vmem_shared>> -> memref<128x128xf32, #tpu.memory_space<vmem_shared>>
      %dma_wait3A_37 = arith.constant 0 : i32
      %dma_wait3A_38 = tpu.memref_slice %arg11[%add3A_16, %dma_wait3A_37] : memref<10240x128xf32, #tpu.memory_space<vmem_shared>> -> memref<128x128xf32, #tpu.memory_space<vmem_shared>>
      tpu.wait_dma2 semaphore(%run_scoped3A : memref<!tpu.dma_semaphore, #tpu.memory_space<semaphore_mem>>) src(%arg10 : memref<128x128xf32, #tpu.memory_space<vmem>>) dst(%dma_wait3A_38 : memref<128x128xf32, #tpu.memory_space<vmem_shared>>)
      tpu.yield
    }) : () -> ()
    %mul3A_17 = arith.constant 640 : i32
    %mul3A_18 = arith.muli %arg1, %mul3A_17 : i32
    %add3A_19 = arith.constant 512 : i32
    %add3A_20 = arith.addi %mul3A_18, %add3A_19 : i32
    "tpu.region"() ({
      %run_scoped3A = tpu.sem_alloc : memref<!tpu.dma_semaphore, #tpu.memory_space<semaphore_mem>>
      %dma_start3A = arith.constant 0 : i32
      %dma_start3A_33 = tpu.memref_slice %arg11[%add3A_20, %dma_start3A] : memref<10240x128xf32, #tpu.memory_space<vmem_shared>> -> memref<128x128xf32, #tpu.memory_space<vmem_shared>>
      %dma_start3A_34 = arith.constant 0 : i32
      %dma_start3A_35 = tpu.memref_slice %arg11[%add3A_20, %dma_start3A_34] : memref<10240x128xf32, #tpu.memory_space<vmem_shared>> -> memref<128x128xf32, #tpu.memory_space<vmem_shared>>
      tpu.enqueue_dma source(%arg10 : memref<128x128xf32, #tpu.memory_space<vmem>>) target(%dma_start3A_35 : memref<128x128xf32, #tpu.memory_space<vmem_shared>>) target_semaphore(%run_scoped3A : memref<!tpu.dma_semaphore, #tpu.memory_space<semaphore_mem>>)
      %dma_wait3A = arith.constant 0 : i32
      %dma_wait3A_36 = tpu.memref_slice %arg11[%add3A_20, %dma_wait3A] : memref<10240x128xf32, #tpu.memory_space<vmem_shared>> -> memref<128x128xf32, #tpu.memory_space<vmem_shared>>
      %dma_wait3A_37 = arith.constant 0 : i32
      %dma_wait3A_38 = tpu.memref_slice %arg11[%add3A_20, %dma_wait3A_37] : memref<10240x128xf32, #tpu.memory_space<vmem_shared>> -> memref<128x128xf32, #tpu.memory_space<vmem_shared>>
      tpu.wait_dma2 semaphore(%run_scoped3A : memref<!tpu.dma_semaphore, #tpu.memory_space<semaphore_mem>>) src(%arg10 : memref<128x128xf32, #tpu.memory_space<vmem>>) dst(%dma_wait3A_38 : memref<128x128xf32, #tpu.memory_space<vmem_shared>>)
      tpu.yield
    }) : () -> ()
    %barrier3A = arith.constant 0 : index
    tpu.barrier barrier_id(%barrier3A)
    %mul3A_21 = arith.constant 10112 : i32
    %mul3A_22 = arith.muli %add3A, %mul3A_21 : i32
    %scan3A = arith.constant 0 : i32
    %scan3A_23 = arith.constant 0 : i32
    %scan3A_24 = arith.constant 79 : i32
    %scan3A_25 = arith.addi %scan3A_23, %scan3A_24 : i32
    %scan3A_26 = arith.constant 1 : i32
    scf.for %scan3A_33 = %scan3A_23 to %scan3A_25 step %scan3A_26  : i32 {
      %mul3A_34 = arith.constant 128 : i32
      %mul3A_35 = arith.muli %scan3A_33, %mul3A_34 : i32
      %add3A_36 = arith.addi %mul3A_22, %mul3A_35 : i32
      "tpu.region"() ({
        %run_scoped3A = tpu.sem_alloc : memref<!tpu.dma_semaphore, #tpu.memory_space<semaphore_mem>>
        %dma_start3A_41 = tpu.memref_slice %arg3[%add3A_36] : memref<323584xi32, #tpu.memory_space<hbm>> -> memref<128xi32, #tpu.memory_space<hbm>>
        %dma_start3A_42 = tpu.memref_slice %arg3[%add3A_36] : memref<323584xi32, #tpu.memory_space<hbm>> -> memref<128xi32, #tpu.memory_space<hbm>>
        tpu.enqueue_dma source(%dma_start3A_42 : memref<128xi32, #tpu.memory_space<hbm>>) target(%arg7 : memref<128xi32, #tpu.memory_space<vmem>>) target_semaphore(%run_scoped3A : memref<!tpu.dma_semaphore, #tpu.memory_space<semaphore_mem>>)
        %dma_wait3A_43 = tpu.memref_slice %arg3[%add3A_36] : memref<323584xi32, #tpu.memory_space<hbm>> -> memref<128xi32, #tpu.memory_space<hbm>>
        %dma_wait3A_44 = tpu.memref_slice %arg3[%add3A_36] : memref<323584xi32, #tpu.memory_space<hbm>> -> memref<128xi32, #tpu.memory_space<hbm>>
        tpu.wait_dma2 semaphore(%run_scoped3A : memref<!tpu.dma_semaphore, #tpu.memory_space<semaphore_mem>>) src(%dma_wait3A_44 : memref<128xi32, #tpu.memory_space<hbm>>) dst(%arg7 : memref<128xi32, #tpu.memory_space<vmem>>)
        tpu.yield
      }) : () -> ()
      "tpu.region"() ({
        %run_scoped3A = tpu.sem_alloc : memref<!tpu.dma_semaphore, #tpu.memory_space<semaphore_mem>>
        %dma_start3A_41 = tpu.memref_slice %arg4[%add3A_36] : memref<323584xi32, #tpu.memory_space<hbm>> -> memref<128xi32, #tpu.memory_space<hbm>>
        %dma_start3A_42 = tpu.memref_slice %arg4[%add3A_36] : memref<323584xi32, #tpu.memory_space<hbm>> -> memref<128xi32, #tpu.memory_space<hbm>>
        tpu.enqueue_dma source(%dma_start3A_42 : memref<128xi32, #tpu.memory_space<hbm>>) target(%arg8 : memref<128xi32, #tpu.memory_space<vmem>>) target_semaphore(%run_scoped3A : memref<!tpu.dma_semaphore, #tpu.memory_space<semaphore_mem>>)
        %dma_wait3A_43 = tpu.memref_slice %arg4[%add3A_36] : memref<323584xi32, #tpu.memory_space<hbm>> -> memref<128xi32, #tpu.memory_space<hbm>>
        %dma_wait3A_44 = tpu.memref_slice %arg4[%add3A_36] : memref<323584xi32, #tpu.memory_space<hbm>> -> memref<128xi32, #tpu.memory_space<hbm>>
        tpu.wait_dma2 semaphore(%run_scoped3A : memref<!tpu.dma_semaphore, #tpu.memory_space<semaphore_mem>>) src(%dma_wait3A_44 : memref<128xi32, #tpu.memory_space<hbm>>) dst(%arg8 : memref<128xi32, #tpu.memory_space<vmem>>)
        tpu.yield
      }) : () -> ()
      %dma_start3A = arith.constant 0 : i32
      %dma_start3A_37 = arith.constant 0 : i32
      %dma_start3A_38 = tpu.memref_slice %arg2[%dma_start3A, %dma_start3A_37] : memref<10000x128xf32, #tpu.memory_space<hbm>> -> memref<10000x128xf32, #tpu.memory_space<hbm>>
      tpu.enqueue_indirect_dma source(%dma_start3A_38 : memref<10000x128xf32, #tpu.memory_space<hbm>>) target(%arg9 : memref<128x128xf32, #tpu.memory_space<vmem>>) offsets(%arg7 : memref<128xi32, #tpu.memory_space<vmem>>) semaphore(%arg12 : memref<!tpu.dma_semaphore, #tpu.memory_space<semaphore_mem>>)
      %dma_wait3A = arith.constant 0 : i32
      %dma_wait3A_39 = arith.constant 0 : i32
      %dma_wait3A_40 = tpu.memref_slice %arg2[%dma_wait3A, %dma_wait3A_39] : memref<10000x128xf32, #tpu.memory_space<hbm>> -> memref<10000x128xf32, #tpu.memory_space<hbm>>
      tpu.wait_indirect_dma semaphore(%arg12 : memref<!tpu.dma_semaphore, #tpu.memory_space<semaphore_mem>>) src(%dma_wait3A_40 : memref<10000x128xf32, #tpu.memory_space<hbm>>) dst(%arg9 : memref<128x128xf32, #tpu.memory_space<vmem>>)
      "tpu.region"() ({
        %run_scoped3A = tpu.sem_alloc : memref<!tpu.dma_semaphore, #tpu.memory_space<semaphore_mem>>
        %dma_start3A_41 = arith.constant 0 : i32
        %dma_start3A_42 = arith.constant 0 : i32
        %dma_start3A_43 = tpu.memref_slice %arg11[%dma_start3A_41, %dma_start3A_42] : memref<10240x128xf32, #tpu.memory_space<vmem_shared>> -> memref<10240x128xf32, #tpu.memory_space<vmem_shared>>
        tpu.enqueue_indirect_dma source(%arg9 : memref<128x128xf32, #tpu.memory_space<vmem>>) target(%dma_start3A_43 : memref<10240x128xf32, #tpu.memory_space<vmem_shared>>) offsets(%arg8 : memref<128xi32, #tpu.memory_space<vmem>>) semaphore(%run_scoped3A : memref<!tpu.dma_semaphore, #tpu.memory_space<semaphore_mem>>) {add = true}
        %dma_wait3A_44 = arith.constant 0 : i32
        %dma_wait3A_45 = arith.constant 0 : i32
        %dma_wait3A_46 = tpu.memref_slice %arg11[%dma_wait3A_44, %dma_wait3A_45] : memref<10240x128xf32, #tpu.memory_space<vmem_shared>> -> memref<10240x128xf32, #tpu.memory_space<vmem_shared>>
        tpu.wait_indirect_dma semaphore(%run_scoped3A : memref<!tpu.dma_semaphore, #tpu.memory_space<semaphore_mem>>) src(%arg9 : memref<128x128xf32, #tpu.memory_space<vmem>>) dst(%dma_wait3A_46 : memref<10240x128xf32, #tpu.memory_space<vmem_shared>>)
        tpu.yield
      }) : () -> ()
    }
    %scan3A_27 = arith.constant 79 : i32
    %barrier3A_28 = arith.constant 0 : index
    tpu.barrier barrier_id(%barrier3A_28)
    %mul3A_29 = arith.constant 640 : i32
    %mul3A_30 = arith.muli %arg1, %mul3A_29 : i32
    %mul3A_31 = arith.constant 640 : i32
    %mul3A_32 = arith.muli %arg1, %mul3A_31 : i32
    "tpu.region"() ({
      %run_scoped3A = tpu.sem_alloc : memref<!tpu.dma_semaphore, #tpu.memory_space<semaphore_mem>>
      %dma_start3A = arith.constant 0 : i32
      %dma_start3A_33 = arith.constant 0 : i32
      %dma_start3A_34 = tpu.memref_slice %arg6[%arg0, %dma_start3A, %dma_start3A_33] : memref<2x10240x128xf32, #tpu.memory_space<hbm>> -> memref<1x10240x128xf32, #tpu.memory_space<hbm>>
      %dma_start3A_35 = tpu.memref_squeeze %dma_start3A_34 : memref<1x10240x128xf32, #tpu.memory_space<hbm>> -> memref<10240x128xf32, #tpu.memory_space<hbm>>
      %dma_start3A_36 = arith.constant 0 : i32
      %dma_start3A_37 = tpu.memref_slice %dma_start3A_35[%mul3A_32, %dma_start3A_36] : memref<10240x128xf32, #tpu.memory_space<hbm>> -> memref<640x128xf32, #tpu.memory_space<hbm>>
      %dma_start3A_38 = arith.constant 0 : i32
      %dma_start3A_39 = tpu.memref_slice %arg11[%mul3A_30, %dma_start3A_38] : memref<10240x128xf32, #tpu.memory_space<vmem_shared>> -> memref<640x128xf32, #tpu.memory_space<vmem_shared>>
      tpu.enqueue_dma source(%dma_start3A_39 : memref<640x128xf32, #tpu.memory_space<vmem_shared>>) target(%dma_start3A_37 : memref<640x128xf32, #tpu.memory_space<hbm>>) target_semaphore(%run_scoped3A : memref<!tpu.dma_semaphore, #tpu.memory_space<semaphore_mem>>)
      %dma_wait3A = arith.constant 0 : i32
      %dma_wait3A_40 = arith.constant 0 : i32
      %dma_wait3A_41 = tpu.memref_slice %arg6[%arg0, %dma_wait3A, %dma_wait3A_40] : memref<2x10240x128xf32, #tpu.memory_space<hbm>> -> memref<1x10240x128xf32, #tpu.memory_space<hbm>>
      %dma_wait3A_42 = tpu.memref_squeeze %dma_wait3A_41 : memref<1x10240x128xf32, #tpu.memory_space<hbm>> -> memref<10240x128xf32, #tpu.memory_space<hbm>>
      %dma_wait3A_43 = arith.constant 0 : i32
      %dma_wait3A_44 = tpu.memref_slice %dma_wait3A_42[%mul3A_32, %dma_wait3A_43] : memref<10240x128xf32, #tpu.memory_space<hbm>> -> memref<640x128xf32, #tpu.memory_space<hbm>>
      %dma_wait3A_45 = arith.constant 0 : i32
      %dma_wait3A_46 = tpu.memref_slice %arg11[%mul3A_30, %dma_wait3A_45] : memref<10240x128xf32, #tpu.memory_space<vmem_shared>> -> memref<640x128xf32, #tpu.memory_space<vmem_shared>>
      tpu.wait_dma2 semaphore(%run_scoped3A : memref<!tpu.dma_semaphore, #tpu.memory_space<semaphore_mem>>) src(%dma_wait3A_46 : memref<640x128xf32, #tpu.memory_space<vmem_shared>>) dst(%dma_wait3A_44 : memref<640x128xf32, #tpu.memory_space<hbm>>)
      tpu.yield
    }) : () -> ()
    return
  }
}

#map = affine_map<(d0, d1) -> (0, 0)>
#map1 = affine_map<(d0, d1) -> (0)>
#map2 = affine_map<(d0, d1) -> (0, 0, 0)>
module attributes {stable_mosaic.version = 14 : i64} {
  func.func @_sc_agg_body(%arg0: i32, %arg1: i32, %arg2: memref<10000x128xf32, #tpu.memory_space<hbm>>, %arg3: memref<323584xi32, #tpu.memory_space<hbm>>, %arg4: memref<323584xi32, #tpu.memory_space<hbm>>, %arg5: memref<128x128xf32, #tpu.memory_space<hbm>>, %arg6: memref<2x10240x128xf32, #tpu.memory_space<hbm>>, %arg7: memref<128xi32, #tpu.memory_space<vmem>>, %arg8: memref<128xi32, #tpu.memory_space<vmem>>, %arg9: memref<128x128xf32, #tpu.memory_space<vmem>>, %arg10: memref<128x128xf32, #tpu.memory_space<vmem>>, %arg11: memref<10240x128xf32, #tpu.memory_space<vmem_shared>>, %arg12: memref<!tpu.dma_semaphore, #tpu.memory_space<semaphore_mem>>) attributes {dimension_semantics = [#tpu.dimension_semantics<core_parallel>, #tpu.dimension_semantics<subcore_parallel>], iteration_bounds = array<i64: 2, 16>, scalar_prefetch = 0 : i64, scratch_operands = 6 : i64, tpu.core_type = #tpu.core_type<sc_vector_subcore>, window_params = [{transform_indices = #map}, {transform_indices = #map1}, {transform_indices = #map1}, {transform_indices = #map}, {transform_indices = #map2}]} {
    %mul3A = arith.constant 16 : i32
    %mul3A_0 = arith.muli %arg0, %mul3A : i32
    %add3A = arith.addi %mul3A_0, %arg1 : i32
    "tpu.region"() ({
      %run_scoped3A = tpu.sem_alloc : memref<!tpu.dma_semaphore, #tpu.memory_space<semaphore_mem>>
      tpu.enqueue_dma source(%arg5 : memref<128x128xf32, #tpu.memory_space<hbm>>) target(%arg10 : memref<128x128xf32, #tpu.memory_space<vmem>>) target_semaphore(%run_scoped3A : memref<!tpu.dma_semaphore, #tpu.memory_space<semaphore_mem>>)
      tpu.wait_dma2 semaphore(%run_scoped3A : memref<!tpu.dma_semaphore, #tpu.memory_space<semaphore_mem>>) src(%arg5 : memref<128x128xf32, #tpu.memory_space<hbm>>) dst(%arg10 : memref<128x128xf32, #tpu.memory_space<vmem>>)
      tpu.yield
    }) : () -> ()
    %mul3A_1 = arith.constant 640 : i32
    %mul3A_2 = arith.muli %arg1, %mul3A_1 : i32
    %add3A_3 = arith.constant 0 : i32
    %add3A_4 = arith.addi %mul3A_2, %add3A_3 : i32
    "tpu.region"() ({
      %run_scoped3A = tpu.sem_alloc : memref<!tpu.dma_semaphore, #tpu.memory_space<semaphore_mem>>
      %dma_start3A = arith.constant 0 : i32
      %dma_start3A_33 = tpu.memref_slice %arg11[%add3A_4, %dma_start3A] : memref<10240x128xf32, #tpu.memory_space<vmem_shared>> -> memref<128x128xf32, #tpu.memory_space<vmem_shared>>
      %dma_start3A_34 = arith.constant 0 : i32
      %dma_start3A_35 = tpu.memref_slice %arg11[%add3A_4, %dma_start3A_34] : memref<10240x128xf32, #tpu.memory_space<vmem_shared>> -> memref<128x128xf32, #tpu.memory_space<vmem_shared>>
      tpu.enqueue_dma source(%arg10 : memref<128x128xf32, #tpu.memory_space<vmem>>) target(%dma_start3A_35 : memref<128x128xf32, #tpu.memory_space<vmem_shared>>) target_semaphore(%run_scoped3A : memref<!tpu.dma_semaphore, #tpu.memory_space<semaphore_mem>>)
      %dma_wait3A = arith.constant 0 : i32
      %dma_wait3A_36 = tpu.memref_slice %arg11[%add3A_4, %dma_wait3A] : memref<10240x128xf32, #tpu.memory_space<vmem_shared>> -> memref<128x128xf32, #tpu.memory_space<vmem_shared>>
      %dma_wait3A_37 = arith.constant 0 : i32
      %dma_wait3A_38 = tpu.memref_slice %arg11[%add3A_4, %dma_wait3A_37] : memref<10240x128xf32, #tpu.memory_space<vmem_shared>> -> memref<128x128xf32, #tpu.memory_space<vmem_shared>>
      tpu.wait_dma2 semaphore(%run_scoped3A : memref<!tpu.dma_semaphore, #tpu.memory_space<semaphore_mem>>) src(%arg10 : memref<128x128xf32, #tpu.memory_space<vmem>>) dst(%dma_wait3A_38 : memref<128x128xf32, #tpu.memory_space<vmem_shared>>)
      tpu.yield
    }) : () -> ()
    %mul3A_5 = arith.constant 640 : i32
    %mul3A_6 = arith.muli %arg1, %mul3A_5 : i32
    %add3A_7 = arith.constant 128 : i32
    %add3A_8 = arith.addi %mul3A_6, %add3A_7 : i32
    "tpu.region"() ({
      %run_scoped3A = tpu.sem_alloc : memref<!tpu.dma_semaphore, #tpu.memory_space<semaphore_mem>>
      %dma_start3A = arith.constant 0 : i32
      %dma_start3A_33 = tpu.memref_slice %arg11[%add3A_8, %dma_start3A] : memref<10240x128xf32, #tpu.memory_space<vmem_shared>> -> memref<128x128xf32, #tpu.memory_space<vmem_shared>>
      %dma_start3A_34 = arith.constant 0 : i32
      %dma_start3A_35 = tpu.memref_slice %arg11[%add3A_8, %dma_start3A_34] : memref<10240x128xf32, #tpu.memory_space<vmem_shared>> -> memref<128x128xf32, #tpu.memory_space<vmem_shared>>
      tpu.enqueue_dma source(%arg10 : memref<128x128xf32, #tpu.memory_space<vmem>>) target(%dma_start3A_35 : memref<128x128xf32, #tpu.memory_space<vmem_shared>>) target_semaphore(%run_scoped3A : memref<!tpu.dma_semaphore, #tpu.memory_space<semaphore_mem>>)
      %dma_wait3A = arith.constant 0 : i32
      %dma_wait3A_36 = tpu.memref_slice %arg11[%add3A_8, %dma_wait3A] : memref<10240x128xf32, #tpu.memory_space<vmem_shared>> -> memref<128x128xf32, #tpu.memory_space<vmem_shared>>
      %dma_wait3A_37 = arith.constant 0 : i32
      %dma_wait3A_38 = tpu.memref_slice %arg11[%add3A_8, %dma_wait3A_37] : memref<10240x128xf32, #tpu.memory_space<vmem_shared>> -> memref<128x128xf32, #tpu.memory_space<vmem_shared>>
      tpu.wait_dma2 semaphore(%run_scoped3A : memref<!tpu.dma_semaphore, #tpu.memory_space<semaphore_mem>>) src(%arg10 : memref<128x128xf32, #tpu.memory_space<vmem>>) dst(%dma_wait3A_38 : memref<128x128xf32, #tpu.memory_space<vmem_shared>>)
      tpu.yield
    }) : () -> ()
    %mul3A_9 = arith.constant 640 : i32
    %mul3A_10 = arith.muli %arg1, %mul3A_9 : i32
    %add3A_11 = arith.constant 256 : i32
    %add3A_12 = arith.addi %mul3A_10, %add3A_11 : i32
    "tpu.region"() ({
      %run_scoped3A = tpu.sem_alloc : memref<!tpu.dma_semaphore, #tpu.memory_space<semaphore_mem>>
      %dma_start3A = arith.constant 0 : i32
      %dma_start3A_33 = tpu.memref_slice %arg11[%add3A_12, %dma_start3A] : memref<10240x128xf32, #tpu.memory_space<vmem_shared>> -> memref<128x128xf32, #tpu.memory_space<vmem_shared>>
      %dma_start3A_34 = arith.constant 0 : i32
      %dma_start3A_35 = tpu.memref_slice %arg11[%add3A_12, %dma_start3A_34] : memref<10240x128xf32, #tpu.memory_space<vmem_shared>> -> memref<128x128xf32, #tpu.memory_space<vmem_shared>>
      tpu.enqueue_dma source(%arg10 : memref<128x128xf32, #tpu.memory_space<vmem>>) target(%dma_start3A_35 : memref<128x128xf32, #tpu.memory_space<vmem_shared>>) target_semaphore(%run_scoped3A : memref<!tpu.dma_semaphore, #tpu.memory_space<semaphore_mem>>)
      %dma_wait3A = arith.constant 0 : i32
      %dma_wait3A_36 = tpu.memref_slice %arg11[%add3A_12, %dma_wait3A] : memref<10240x128xf32, #tpu.memory_space<vmem_shared>> -> memref<128x128xf32, #tpu.memory_space<vmem_shared>>
      %dma_wait3A_37 = arith.constant 0 : i32
      %dma_wait3A_38 = tpu.memref_slice %arg11[%add3A_12, %dma_wait3A_37] : memref<10240x128xf32, #tpu.memory_space<vmem_shared>> -> memref<128x128xf32, #tpu.memory_space<vmem_shared>>
      tpu.wait_dma2 semaphore(%run_scoped3A : memref<!tpu.dma_semaphore, #tpu.memory_space<semaphore_mem>>) src(%arg10 : memref<128x128xf32, #tpu.memory_space<vmem>>) dst(%dma_wait3A_38 : memref<128x128xf32, #tpu.memory_space<vmem_shared>>)
      tpu.yield
    }) : () -> ()
    %mul3A_13 = arith.constant 640 : i32
    %mul3A_14 = arith.muli %arg1, %mul3A_13 : i32
    %add3A_15 = arith.constant 384 : i32
    %add3A_16 = arith.addi %mul3A_14, %add3A_15 : i32
    "tpu.region"() ({
      %run_scoped3A = tpu.sem_alloc : memref<!tpu.dma_semaphore, #tpu.memory_space<semaphore_mem>>
      %dma_start3A = arith.constant 0 : i32
      %dma_start3A_33 = tpu.memref_slice %arg11[%add3A_16, %dma_start3A] : memref<10240x128xf32, #tpu.memory_space<vmem_shared>> -> memref<128x128xf32, #tpu.memory_space<vmem_shared>>
      %dma_start3A_34 = arith.constant 0 : i32
      %dma_start3A_35 = tpu.memref_slice %arg11[%add3A_16, %dma_start3A_34] : memref<10240x128xf32, #tpu.memory_space<vmem_shared>> -> memref<128x128xf32, #tpu.memory_space<vmem_shared>>
      tpu.enqueue_dma source(%arg10 : memref<128x128xf32, #tpu.memory_space<vmem>>) target(%dma_start3A_35 : memref<128x128xf32, #tpu.memory_space<vmem_shared>>) target_semaphore(%run_scoped3A : memref<!tpu.dma_semaphore, #tpu.memory_space<semaphore_mem>>)
      %dma_wait3A = arith.constant 0 : i32
      %dma_wait3A_36 = tpu.memref_slice %arg11[%add3A_16, %dma_wait3A] : memref<10240x128xf32, #tpu.memory_space<vmem_shared>> -> memref<128x128xf32, #tpu.memory_space<vmem_shared>>
      %dma_wait3A_37 = arith.constant 0 : i32
      %dma_wait3A_38 = tpu.memref_slice %arg11[%add3A_16, %dma_wait3A_37] : memref<10240x128xf32, #tpu.memory_space<vmem_shared>> -> memref<128x128xf32, #tpu.memory_space<vmem_shared>>
      tpu.wait_dma2 semaphore(%run_scoped3A : memref<!tpu.dma_semaphore, #tpu.memory_space<semaphore_mem>>) src(%arg10 : memref<128x128xf32, #tpu.memory_space<vmem>>) dst(%dma_wait3A_38 : memref<128x128xf32, #tpu.memory_space<vmem_shared>>)
      tpu.yield
    }) : () -> ()
    %mul3A_17 = arith.constant 640 : i32
    %mul3A_18 = arith.muli %arg1, %mul3A_17 : i32
    %add3A_19 = arith.constant 512 : i32
    %add3A_20 = arith.addi %mul3A_18, %add3A_19 : i32
    "tpu.region"() ({
      %run_scoped3A = tpu.sem_alloc : memref<!tpu.dma_semaphore, #tpu.memory_space<semaphore_mem>>
      %dma_start3A = arith.constant 0 : i32
      %dma_start3A_33 = tpu.memref_slice %arg11[%add3A_20, %dma_start3A] : memref<10240x128xf32, #tpu.memory_space<vmem_shared>> -> memref<128x128xf32, #tpu.memory_space<vmem_shared>>
      %dma_start3A_34 = arith.constant 0 : i32
      %dma_start3A_35 = tpu.memref_slice %arg11[%add3A_20, %dma_start3A_34] : memref<10240x128xf32, #tpu.memory_space<vmem_shared>> -> memref<128x128xf32, #tpu.memory_space<vmem_shared>>
      tpu.enqueue_dma source(%arg10 : memref<128x128xf32, #tpu.memory_space<vmem>>) target(%dma_start3A_35 : memref<128x128xf32, #tpu.memory_space<vmem_shared>>) target_semaphore(%run_scoped3A : memref<!tpu.dma_semaphore, #tpu.memory_space<semaphore_mem>>)
      %dma_wait3A = arith.constant 0 : i32
      %dma_wait3A_36 = tpu.memref_slice %arg11[%add3A_20, %dma_wait3A] : memref<10240x128xf32, #tpu.memory_space<vmem_shared>> -> memref<128x128xf32, #tpu.memory_space<vmem_shared>>
      %dma_wait3A_37 = arith.constant 0 : i32
      %dma_wait3A_38 = tpu.memref_slice %arg11[%add3A_20, %dma_wait3A_37] : memref<10240x128xf32, #tpu.memory_space<vmem_shared>> -> memref<128x128xf32, #tpu.memory_space<vmem_shared>>
      tpu.wait_dma2 semaphore(%run_scoped3A : memref<!tpu.dma_semaphore, #tpu.memory_space<semaphore_mem>>) src(%arg10 : memref<128x128xf32, #tpu.memory_space<vmem>>) dst(%dma_wait3A_38 : memref<128x128xf32, #tpu.memory_space<vmem_shared>>)
      tpu.yield
    }) : () -> ()
    %barrier3A = arith.constant 0 : index
    tpu.barrier barrier_id(%barrier3A)
    %mul3A_21 = arith.constant 10112 : i32
    %mul3A_22 = arith.muli %add3A, %mul3A_21 : i32
    %scan3A = arith.constant 0 : i32
    %scan3A_23 = arith.constant 0 : i32
    %scan3A_24 = arith.constant 79 : i32
    %scan3A_25 = arith.addi %scan3A_23, %scan3A_24 : i32
    %scan3A_26 = arith.constant 1 : i32
    scf.for %scan3A_33 = %scan3A_23 to %scan3A_25 step %scan3A_26  : i32 {
      %mul3A_34 = arith.constant 128 : i32
      %mul3A_35 = arith.muli %scan3A_33, %mul3A_34 : i32
      %add3A_36 = arith.addi %mul3A_22, %mul3A_35 : i32
      "tpu.region"() ({
        %run_scoped3A = tpu.sem_alloc : memref<!tpu.dma_semaphore, #tpu.memory_space<semaphore_mem>>
        %dma_start3A_41 = tpu.memref_slice %arg3[%add3A_36] : memref<323584xi32, #tpu.memory_space<hbm>> -> memref<128xi32, #tpu.memory_space<hbm>>
        %dma_start3A_42 = tpu.memref_slice %arg3[%add3A_36] : memref<323584xi32, #tpu.memory_space<hbm>> -> memref<128xi32, #tpu.memory_space<hbm>>
        tpu.enqueue_dma source(%dma_start3A_42 : memref<128xi32, #tpu.memory_space<hbm>>) target(%arg7 : memref<128xi32, #tpu.memory_space<vmem>>) target_semaphore(%run_scoped3A : memref<!tpu.dma_semaphore, #tpu.memory_space<semaphore_mem>>)
        %dma_wait3A_43 = tpu.memref_slice %arg3[%add3A_36] : memref<323584xi32, #tpu.memory_space<hbm>> -> memref<128xi32, #tpu.memory_space<hbm>>
        %dma_wait3A_44 = tpu.memref_slice %arg3[%add3A_36] : memref<323584xi32, #tpu.memory_space<hbm>> -> memref<128xi32, #tpu.memory_space<hbm>>
        tpu.wait_dma2 semaphore(%run_scoped3A : memref<!tpu.dma_semaphore, #tpu.memory_space<semaphore_mem>>) src(%dma_wait3A_44 : memref<128xi32, #tpu.memory_space<hbm>>) dst(%arg7 : memref<128xi32, #tpu.memory_space<vmem>>)
        tpu.yield
      }) : () -> ()
      "tpu.region"() ({
        %run_scoped3A = tpu.sem_alloc : memref<!tpu.dma_semaphore, #tpu.memory_space<semaphore_mem>>
        %dma_start3A_41 = tpu.memref_slice %arg4[%add3A_36] : memref<323584xi32, #tpu.memory_space<hbm>> -> memref<128xi32, #tpu.memory_space<hbm>>
        %dma_start3A_42 = tpu.memref_slice %arg4[%add3A_36] : memref<323584xi32, #tpu.memory_space<hbm>> -> memref<128xi32, #tpu.memory_space<hbm>>
        tpu.enqueue_dma source(%dma_start3A_42 : memref<128xi32, #tpu.memory_space<hbm>>) target(%arg8 : memref<128xi32, #tpu.memory_space<vmem>>) target_semaphore(%run_scoped3A : memref<!tpu.dma_semaphore, #tpu.memory_space<semaphore_mem>>)
        %dma_wait3A_43 = tpu.memref_slice %arg4[%add3A_36] : memref<323584xi32, #tpu.memory_space<hbm>> -> memref<128xi32, #tpu.memory_space<hbm>>
        %dma_wait3A_44 = tpu.memref_slice %arg4[%add3A_36] : memref<323584xi32, #tpu.memory_space<hbm>> -> memref<128xi32, #tpu.memory_space<hbm>>
        tpu.wait_dma2 semaphore(%run_scoped3A : memref<!tpu.dma_semaphore, #tpu.memory_space<semaphore_mem>>) src(%dma_wait3A_44 : memref<128xi32, #tpu.memory_space<hbm>>) dst(%arg8 : memref<128xi32, #tpu.memory_space<vmem>>)
        tpu.yield
      }) : () -> ()
      %dma_start3A = arith.constant 0 : i32
      %dma_start3A_37 = arith.constant 0 : i32
      %dma_start3A_38 = tpu.memref_slice %arg2[%dma_start3A, %dma_start3A_37] : memref<10000x128xf32, #tpu.memory_space<hbm>> -> memref<10000x128xf32, #tpu.memory_space<hbm>>
      tpu.enqueue_indirect_dma source(%dma_start3A_38 : memref<10000x128xf32, #tpu.memory_space<hbm>>) target(%arg9 : memref<128x128xf32, #tpu.memory_space<vmem>>) offsets(%arg7 : memref<128xi32, #tpu.memory_space<vmem>>) semaphore(%arg12 : memref<!tpu.dma_semaphore, #tpu.memory_space<semaphore_mem>>)
      %dma_wait3A = arith.constant 0 : i32
      %dma_wait3A_39 = arith.constant 0 : i32
      %dma_wait3A_40 = tpu.memref_slice %arg2[%dma_wait3A, %dma_wait3A_39] : memref<10000x128xf32, #tpu.memory_space<hbm>> -> memref<10000x128xf32, #tpu.memory_space<hbm>>
      tpu.wait_indirect_dma semaphore(%arg12 : memref<!tpu.dma_semaphore, #tpu.memory_space<semaphore_mem>>) src(%dma_wait3A_40 : memref<10000x128xf32, #tpu.memory_space<hbm>>) dst(%arg9 : memref<128x128xf32, #tpu.memory_space<vmem>>)
      "tpu.region"() ({
        %run_scoped3A = tpu.sem_alloc : memref<!tpu.dma_semaphore, #tpu.memory_space<semaphore_mem>>
        %dma_start3A_41 = arith.constant 0 : i32
        %dma_start3A_42 = arith.constant 0 : i32
        %dma_start3A_43 = tpu.memref_slice %arg11[%dma_start3A_41, %dma_start3A_42] : memref<10240x128xf32, #tpu.memory_space<vmem_shared>> -> memref<10240x128xf32, #tpu.memory_space<vmem_shared>>
        tpu.enqueue_indirect_dma source(%arg9 : memref<128x128xf32, #tpu.memory_space<vmem>>) target(%dma_start3A_43 : memref<10240x128xf32, #tpu.memory_space<vmem_shared>>) offsets(%arg8 : memref<128xi32, #tpu.memory_space<vmem>>) semaphore(%run_scoped3A : memref<!tpu.dma_semaphore, #tpu.memory_space<semaphore_mem>>) {add = true}
        %dma_wait3A_44 = arith.constant 0 : i32
        %dma_wait3A_45 = arith.constant 0 : i32
        %dma_wait3A_46 = tpu.memref_slice %arg11[%dma_wait3A_44, %dma_wait3A_45] : memref<10240x128xf32, #tpu.memory_space<vmem_shared>> -> memref<10240x128xf32, #tpu.memory_space<vmem_shared>>
        tpu.wait_indirect_dma semaphore(%run_scoped3A : memref<!tpu.dma_semaphore, #tpu.memory_space<semaphore_mem>>) src(%arg9 : memref<128x128xf32, #tpu.memory_space<vmem>>) dst(%dma_wait3A_46 : memref<10240x128xf32, #tpu.memory_space<vmem_shared>>)
        tpu.yield
      }) : () -> ()
    }
    %scan3A_27 = arith.constant 79 : i32
    %barrier3A_28 = arith.constant 0 : index
    tpu.barrier barrier_id(%barrier3A_28)
    %mul3A_29 = arith.constant 640 : i32
    %mul3A_30 = arith.muli %arg1, %mul3A_29 : i32
    %mul3A_31 = arith.constant 640 : i32
    %mul3A_32 = arith.muli %arg1, %mul3A_31 : i32
    "tpu.region"() ({
      %run_scoped3A = tpu.sem_alloc : memref<!tpu.dma_semaphore, #tpu.memory_space<semaphore_mem>>
      %dma_start3A = arith.constant 0 : i32
      %dma_start3A_33 = arith.constant 0 : i32
      %dma_start3A_34 = tpu.memref_slice %arg6[%arg0, %dma_start3A, %dma_start3A_33] : memref<2x10240x128xf32, #tpu.memory_space<hbm>> -> memref<1x10240x128xf32, #tpu.memory_space<hbm>>
      %dma_start3A_35 = tpu.memref_squeeze %dma_start3A_34 : memref<1x10240x128xf32, #tpu.memory_space<hbm>> -> memref<10240x128xf32, #tpu.memory_space<hbm>>
      %dma_start3A_36 = arith.constant 0 : i32
      %dma_start3A_37 = tpu.memref_slice %dma_start3A_35[%mul3A_32, %dma_start3A_36] : memref<10240x128xf32, #tpu.memory_space<hbm>> -> memref<640x128xf32, #tpu.memory_space<hbm>>
      %dma_start3A_38 = arith.constant 0 : i32
      %dma_start3A_39 = tpu.memref_slice %arg11[%mul3A_30, %dma_start3A_38] : memref<10240x128xf32, #tpu.memory_space<vmem_shared>> -> memref<640x128xf32, #tpu.memory_space<vmem_shared>>
      tpu.enqueue_dma source(%dma_start3A_39 : memref<640x128xf32, #tpu.memory_space<vmem_shared>>) target(%dma_start3A_37 : memref<640x128xf32, #tpu.memory_space<hbm>>) target_semaphore(%run_scoped3A : memref<!tpu.dma_semaphore, #tpu.memory_space<semaphore_mem>>)
      %dma_wait3A = arith.constant 0 : i32
      %dma_wait3A_40 = arith.constant 0 : i32
      %dma_wait3A_41 = tpu.memref_slice %arg6[%arg0, %dma_wait3A, %dma_wait3A_40] : memref<2x10240x128xf32, #tpu.memory_space<hbm>> -> memref<1x10240x128xf32, #tpu.memory_space<hbm>>
      %dma_wait3A_42 = tpu.memref_squeeze %dma_wait3A_41 : memref<1x10240x128xf32, #tpu.memory_space<hbm>> -> memref<10240x128xf32, #tpu.memory_space<hbm>>
      %dma_wait3A_43 = arith.constant 0 : i32
      %dma_wait3A_44 = tpu.memref_slice %dma_wait3A_42[%mul3A_32, %dma_wait3A_43] : memref<10240x128xf32, #tpu.memory_space<hbm>> -> memref<640x128xf32, #tpu.memory_space<hbm>>
      %dma_wait3A_45 = arith.constant 0 : i32
      %dma_wait3A_46 = tpu.memref_slice %arg11[%mul3A_30, %dma_wait3A_45] : memref<10240x128xf32, #tpu.memory_space<vmem_shared>> -> memref<640x128xf32, #tpu.memory_space<vmem_shared>>
      tpu.wait_dma2 semaphore(%run_scoped3A : memref<!tpu.dma_semaphore, #tpu.memory_space<semaphore_mem>>) src(%dma_wait3A_46 : memref<640x128xf32, #tpu.memory_space<vmem_shared>>) dst(%dma_wait3A_44 : memref<640x128xf32, #tpu.memory_space<hbm>>)
      tpu.yield
    }) : () -> ()
    return
  }
}

#map = affine_map<(d0, d1) -> (0, 0)>
#map1 = affine_map<(d0, d1) -> (0)>
#map2 = affine_map<(d0, d1) -> (0, 0, 0)>
module attributes {stable_mosaic.version = 14 : i64} {
  func.func @_sc_agg_body(%arg0: i32, %arg1: i32, %arg2: memref<10000x128xf32, #tpu.memory_space<hbm>>, %arg3: memref<323584xi32, #tpu.memory_space<hbm>>, %arg4: memref<323584xi32, #tpu.memory_space<hbm>>, %arg5: memref<128x128xf32, #tpu.memory_space<hbm>>, %arg6: memref<2x10240x128xf32, #tpu.memory_space<hbm>>, %arg7: memref<128xi32, #tpu.memory_space<vmem>>, %arg8: memref<128xi32, #tpu.memory_space<vmem>>, %arg9: memref<128x128xf32, #tpu.memory_space<vmem>>, %arg10: memref<128x128xf32, #tpu.memory_space<vmem>>, %arg11: memref<10240x128xf32, #tpu.memory_space<vmem_shared>>, %arg12: memref<!tpu.dma_semaphore, #tpu.memory_space<semaphore_mem>>) attributes {dimension_semantics = [#tpu.dimension_semantics<core_parallel>, #tpu.dimension_semantics<subcore_parallel>], iteration_bounds = array<i64: 2, 16>, scalar_prefetch = 0 : i64, scratch_operands = 6 : i64, tpu.core_type = #tpu.core_type<sc_vector_subcore>, window_params = [{transform_indices = #map}, {transform_indices = #map1}, {transform_indices = #map1}, {transform_indices = #map}, {transform_indices = #map2}]} {
    %mul3A = arith.constant 16 : i32
    %mul3A_0 = arith.muli %arg0, %mul3A : i32
    %add3A = arith.addi %mul3A_0, %arg1 : i32
    "tpu.region"() ({
      %run_scoped3A = tpu.sem_alloc : memref<!tpu.dma_semaphore, #tpu.memory_space<semaphore_mem>>
      tpu.enqueue_dma source(%arg5 : memref<128x128xf32, #tpu.memory_space<hbm>>) target(%arg10 : memref<128x128xf32, #tpu.memory_space<vmem>>) target_semaphore(%run_scoped3A : memref<!tpu.dma_semaphore, #tpu.memory_space<semaphore_mem>>)
      tpu.wait_dma2 semaphore(%run_scoped3A : memref<!tpu.dma_semaphore, #tpu.memory_space<semaphore_mem>>) src(%arg5 : memref<128x128xf32, #tpu.memory_space<hbm>>) dst(%arg10 : memref<128x128xf32, #tpu.memory_space<vmem>>)
      tpu.yield
    }) : () -> ()
    %mul3A_1 = arith.constant 640 : i32
    %mul3A_2 = arith.muli %arg1, %mul3A_1 : i32
    %add3A_3 = arith.constant 0 : i32
    %add3A_4 = arith.addi %mul3A_2, %add3A_3 : i32
    "tpu.region"() ({
      %run_scoped3A = tpu.sem_alloc : memref<!tpu.dma_semaphore, #tpu.memory_space<semaphore_mem>>
      %dma_start3A = arith.constant 0 : i32
      %dma_start3A_33 = tpu.memref_slice %arg11[%add3A_4, %dma_start3A] : memref<10240x128xf32, #tpu.memory_space<vmem_shared>> -> memref<128x128xf32, #tpu.memory_space<vmem_shared>>
      %dma_start3A_34 = arith.constant 0 : i32
      %dma_start3A_35 = tpu.memref_slice %arg11[%add3A_4, %dma_start3A_34] : memref<10240x128xf32, #tpu.memory_space<vmem_shared>> -> memref<128x128xf32, #tpu.memory_space<vmem_shared>>
      tpu.enqueue_dma source(%arg10 : memref<128x128xf32, #tpu.memory_space<vmem>>) target(%dma_start3A_35 : memref<128x128xf32, #tpu.memory_space<vmem_shared>>) target_semaphore(%run_scoped3A : memref<!tpu.dma_semaphore, #tpu.memory_space<semaphore_mem>>)
      %dma_wait3A = arith.constant 0 : i32
      %dma_wait3A_36 = tpu.memref_slice %arg11[%add3A_4, %dma_wait3A] : memref<10240x128xf32, #tpu.memory_space<vmem_shared>> -> memref<128x128xf32, #tpu.memory_space<vmem_shared>>
      %dma_wait3A_37 = arith.constant 0 : i32
      %dma_wait3A_38 = tpu.memref_slice %arg11[%add3A_4, %dma_wait3A_37] : memref<10240x128xf32, #tpu.memory_space<vmem_shared>> -> memref<128x128xf32, #tpu.memory_space<vmem_shared>>
      tpu.wait_dma2 semaphore(%run_scoped3A : memref<!tpu.dma_semaphore, #tpu.memory_space<semaphore_mem>>) src(%arg10 : memref<128x128xf32, #tpu.memory_space<vmem>>) dst(%dma_wait3A_38 : memref<128x128xf32, #tpu.memory_space<vmem_shared>>)
      tpu.yield
    }) : () -> ()
    %mul3A_5 = arith.constant 640 : i32
    %mul3A_6 = arith.muli %arg1, %mul3A_5 : i32
    %add3A_7 = arith.constant 128 : i32
    %add3A_8 = arith.addi %mul3A_6, %add3A_7 : i32
    "tpu.region"() ({
      %run_scoped3A = tpu.sem_alloc : memref<!tpu.dma_semaphore, #tpu.memory_space<semaphore_mem>>
      %dma_start3A = arith.constant 0 : i32
      %dma_start3A_33 = tpu.memref_slice %arg11[%add3A_8, %dma_start3A] : memref<10240x128xf32, #tpu.memory_space<vmem_shared>> -> memref<128x128xf32, #tpu.memory_space<vmem_shared>>
      %dma_start3A_34 = arith.constant 0 : i32
      %dma_start3A_35 = tpu.memref_slice %arg11[%add3A_8, %dma_start3A_34] : memref<10240x128xf32, #tpu.memory_space<vmem_shared>> -> memref<128x128xf32, #tpu.memory_space<vmem_shared>>
      tpu.enqueue_dma source(%arg10 : memref<128x128xf32, #tpu.memory_space<vmem>>) target(%dma_start3A_35 : memref<128x128xf32, #tpu.memory_space<vmem_shared>>) target_semaphore(%run_scoped3A : memref<!tpu.dma_semaphore, #tpu.memory_space<semaphore_mem>>)
      %dma_wait3A = arith.constant 0 : i32
      %dma_wait3A_36 = tpu.memref_slice %arg11[%add3A_8, %dma_wait3A] : memref<10240x128xf32, #tpu.memory_space<vmem_shared>> -> memref<128x128xf32, #tpu.memory_space<vmem_shared>>
      %dma_wait3A_37 = arith.constant 0 : i32
      %dma_wait3A_38 = tpu.memref_slice %arg11[%add3A_8, %dma_wait3A_37] : memref<10240x128xf32, #tpu.memory_space<vmem_shared>> -> memref<128x128xf32, #tpu.memory_space<vmem_shared>>
      tpu.wait_dma2 semaphore(%run_scoped3A : memref<!tpu.dma_semaphore, #tpu.memory_space<semaphore_mem>>) src(%arg10 : memref<128x128xf32, #tpu.memory_space<vmem>>) dst(%dma_wait3A_38 : memref<128x128xf32, #tpu.memory_space<vmem_shared>>)
      tpu.yield
    }) : () -> ()
    %mul3A_9 = arith.constant 640 : i32
    %mul3A_10 = arith.muli %arg1, %mul3A_9 : i32
    %add3A_11 = arith.constant 256 : i32
    %add3A_12 = arith.addi %mul3A_10, %add3A_11 : i32
    "tpu.region"() ({
      %run_scoped3A = tpu.sem_alloc : memref<!tpu.dma_semaphore, #tpu.memory_space<semaphore_mem>>
      %dma_start3A = arith.constant 0 : i32
      %dma_start3A_33 = tpu.memref_slice %arg11[%add3A_12, %dma_start3A] : memref<10240x128xf32, #tpu.memory_space<vmem_shared>> -> memref<128x128xf32, #tpu.memory_space<vmem_shared>>
      %dma_start3A_34 = arith.constant 0 : i32
      %dma_start3A_35 = tpu.memref_slice %arg11[%add3A_12, %dma_start3A_34] : memref<10240x128xf32, #tpu.memory_space<vmem_shared>> -> memref<128x128xf32, #tpu.memory_space<vmem_shared>>
      tpu.enqueue_dma source(%arg10 : memref<128x128xf32, #tpu.memory_space<vmem>>) target(%dma_start3A_35 : memref<128x128xf32, #tpu.memory_space<vmem_shared>>) target_semaphore(%run_scoped3A : memref<!tpu.dma_semaphore, #tpu.memory_space<semaphore_mem>>)
      %dma_wait3A = arith.constant 0 : i32
      %dma_wait3A_36 = tpu.memref_slice %arg11[%add3A_12, %dma_wait3A] : memref<10240x128xf32, #tpu.memory_space<vmem_shared>> -> memref<128x128xf32, #tpu.memory_space<vmem_shared>>
      %dma_wait3A_37 = arith.constant 0 : i32
      %dma_wait3A_38 = tpu.memref_slice %arg11[%add3A_12, %dma_wait3A_37] : memref<10240x128xf32, #tpu.memory_space<vmem_shared>> -> memref<128x128xf32, #tpu.memory_space<vmem_shared>>
      tpu.wait_dma2 semaphore(%run_scoped3A : memref<!tpu.dma_semaphore, #tpu.memory_space<semaphore_mem>>) src(%arg10 : memref<128x128xf32, #tpu.memory_space<vmem>>) dst(%dma_wait3A_38 : memref<128x128xf32, #tpu.memory_space<vmem_shared>>)
      tpu.yield
    }) : () -> ()
    %mul3A_13 = arith.constant 640 : i32
    %mul3A_14 = arith.muli %arg1, %mul3A_13 : i32
    %add3A_15 = arith.constant 384 : i32
    %add3A_16 = arith.addi %mul3A_14, %add3A_15 : i32
    "tpu.region"() ({
      %run_scoped3A = tpu.sem_alloc : memref<!tpu.dma_semaphore, #tpu.memory_space<semaphore_mem>>
      %dma_start3A = arith.constant 0 : i32
      %dma_start3A_33 = tpu.memref_slice %arg11[%add3A_16, %dma_start3A] : memref<10240x128xf32, #tpu.memory_space<vmem_shared>> -> memref<128x128xf32, #tpu.memory_space<vmem_shared>>
      %dma_start3A_34 = arith.constant 0 : i32
      %dma_start3A_35 = tpu.memref_slice %arg11[%add3A_16, %dma_start3A_34] : memref<10240x128xf32, #tpu.memory_space<vmem_shared>> -> memref<128x128xf32, #tpu.memory_space<vmem_shared>>
      tpu.enqueue_dma source(%arg10 : memref<128x128xf32, #tpu.memory_space<vmem>>) target(%dma_start3A_35 : memref<128x128xf32, #tpu.memory_space<vmem_shared>>) target_semaphore(%run_scoped3A : memref<!tpu.dma_semaphore, #tpu.memory_space<semaphore_mem>>)
      %dma_wait3A = arith.constant 0 : i32
      %dma_wait3A_36 = tpu.memref_slice %arg11[%add3A_16, %dma_wait3A] : memref<10240x128xf32, #tpu.memory_space<vmem_shared>> -> memref<128x128xf32, #tpu.memory_space<vmem_shared>>
      %dma_wait3A_37 = arith.constant 0 : i32
      %dma_wait3A_38 = tpu.memref_slice %arg11[%add3A_16, %dma_wait3A_37] : memref<10240x128xf32, #tpu.memory_space<vmem_shared>> -> memref<128x128xf32, #tpu.memory_space<vmem_shared>>
      tpu.wait_dma2 semaphore(%run_scoped3A : memref<!tpu.dma_semaphore, #tpu.memory_space<semaphore_mem>>) src(%arg10 : memref<128x128xf32, #tpu.memory_space<vmem>>) dst(%dma_wait3A_38 : memref<128x128xf32, #tpu.memory_space<vmem_shared>>)
      tpu.yield
    }) : () -> ()
    %mul3A_17 = arith.constant 640 : i32
    %mul3A_18 = arith.muli %arg1, %mul3A_17 : i32
    %add3A_19 = arith.constant 512 : i32
    %add3A_20 = arith.addi %mul3A_18, %add3A_19 : i32
    "tpu.region"() ({
      %run_scoped3A = tpu.sem_alloc : memref<!tpu.dma_semaphore, #tpu.memory_space<semaphore_mem>>
      %dma_start3A = arith.constant 0 : i32
      %dma_start3A_33 = tpu.memref_slice %arg11[%add3A_20, %dma_start3A] : memref<10240x128xf32, #tpu.memory_space<vmem_shared>> -> memref<128x128xf32, #tpu.memory_space<vmem_shared>>
      %dma_start3A_34 = arith.constant 0 : i32
      %dma_start3A_35 = tpu.memref_slice %arg11[%add3A_20, %dma_start3A_34] : memref<10240x128xf32, #tpu.memory_space<vmem_shared>> -> memref<128x128xf32, #tpu.memory_space<vmem_shared>>
      tpu.enqueue_dma source(%arg10 : memref<128x128xf32, #tpu.memory_space<vmem>>) target(%dma_start3A_35 : memref<128x128xf32, #tpu.memory_space<vmem_shared>>) target_semaphore(%run_scoped3A : memref<!tpu.dma_semaphore, #tpu.memory_space<semaphore_mem>>)
      %dma_wait3A = arith.constant 0 : i32
      %dma_wait3A_36 = tpu.memref_slice %arg11[%add3A_20, %dma_wait3A] : memref<10240x128xf32, #tpu.memory_space<vmem_shared>> -> memref<128x128xf32, #tpu.memory_space<vmem_shared>>
      %dma_wait3A_37 = arith.constant 0 : i32
      %dma_wait3A_38 = tpu.memref_slice %arg11[%add3A_20, %dma_wait3A_37] : memref<10240x128xf32, #tpu.memory_space<vmem_shared>> -> memref<128x128xf32, #tpu.memory_space<vmem_shared>>
      tpu.wait_dma2 semaphore(%run_scoped3A : memref<!tpu.dma_semaphore, #tpu.memory_space<semaphore_mem>>) src(%arg10 : memref<128x128xf32, #tpu.memory_space<vmem>>) dst(%dma_wait3A_38 : memref<128x128xf32, #tpu.memory_space<vmem_shared>>)
      tpu.yield
    }) : () -> ()
    %barrier3A = arith.constant 0 : index
    tpu.barrier barrier_id(%barrier3A)
    %mul3A_21 = arith.constant 10112 : i32
    %mul3A_22 = arith.muli %add3A, %mul3A_21 : i32
    %scan3A = arith.constant 0 : i32
    %scan3A_23 = arith.constant 0 : i32
    %scan3A_24 = arith.constant 79 : i32
    %scan3A_25 = arith.addi %scan3A_23, %scan3A_24 : i32
    %scan3A_26 = arith.constant 1 : i32
    scf.for %scan3A_33 = %scan3A_23 to %scan3A_25 step %scan3A_26  : i32 {
      %mul3A_34 = arith.constant 128 : i32
      %mul3A_35 = arith.muli %scan3A_33, %mul3A_34 : i32
      %add3A_36 = arith.addi %mul3A_22, %mul3A_35 : i32
      "tpu.region"() ({
        %run_scoped3A = tpu.sem_alloc : memref<!tpu.dma_semaphore, #tpu.memory_space<semaphore_mem>>
        %dma_start3A_41 = tpu.memref_slice %arg3[%add3A_36] : memref<323584xi32, #tpu.memory_space<hbm>> -> memref<128xi32, #tpu.memory_space<hbm>>
        %dma_start3A_42 = tpu.memref_slice %arg3[%add3A_36] : memref<323584xi32, #tpu.memory_space<hbm>> -> memref<128xi32, #tpu.memory_space<hbm>>
        tpu.enqueue_dma source(%dma_start3A_42 : memref<128xi32, #tpu.memory_space<hbm>>) target(%arg7 : memref<128xi32, #tpu.memory_space<vmem>>) target_semaphore(%run_scoped3A : memref<!tpu.dma_semaphore, #tpu.memory_space<semaphore_mem>>)
        %dma_wait3A_43 = tpu.memref_slice %arg3[%add3A_36] : memref<323584xi32, #tpu.memory_space<hbm>> -> memref<128xi32, #tpu.memory_space<hbm>>
        %dma_wait3A_44 = tpu.memref_slice %arg3[%add3A_36] : memref<323584xi32, #tpu.memory_space<hbm>> -> memref<128xi32, #tpu.memory_space<hbm>>
        tpu.wait_dma2 semaphore(%run_scoped3A : memref<!tpu.dma_semaphore, #tpu.memory_space<semaphore_mem>>) src(%dma_wait3A_44 : memref<128xi32, #tpu.memory_space<hbm>>) dst(%arg7 : memref<128xi32, #tpu.memory_space<vmem>>)
        tpu.yield
      }) : () -> ()
      "tpu.region"() ({
        %run_scoped3A = tpu.sem_alloc : memref<!tpu.dma_semaphore, #tpu.memory_space<semaphore_mem>>
        %dma_start3A_41 = tpu.memref_slice %arg4[%add3A_36] : memref<323584xi32, #tpu.memory_space<hbm>> -> memref<128xi32, #tpu.memory_space<hbm>>
        %dma_start3A_42 = tpu.memref_slice %arg4[%add3A_36] : memref<323584xi32, #tpu.memory_space<hbm>> -> memref<128xi32, #tpu.memory_space<hbm>>
        tpu.enqueue_dma source(%dma_start3A_42 : memref<128xi32, #tpu.memory_space<hbm>>) target(%arg8 : memref<128xi32, #tpu.memory_space<vmem>>) target_semaphore(%run_scoped3A : memref<!tpu.dma_semaphore, #tpu.memory_space<semaphore_mem>>)
        %dma_wait3A_43 = tpu.memref_slice %arg4[%add3A_36] : memref<323584xi32, #tpu.memory_space<hbm>> -> memref<128xi32, #tpu.memory_space<hbm>>
        %dma_wait3A_44 = tpu.memref_slice %arg4[%add3A_36] : memref<323584xi32, #tpu.memory_space<hbm>> -> memref<128xi32, #tpu.memory_space<hbm>>
        tpu.wait_dma2 semaphore(%run_scoped3A : memref<!tpu.dma_semaphore, #tpu.memory_space<semaphore_mem>>) src(%dma_wait3A_44 : memref<128xi32, #tpu.memory_space<hbm>>) dst(%arg8 : memref<128xi32, #tpu.memory_space<vmem>>)
        tpu.yield
      }) : () -> ()
      %dma_start3A = arith.constant 0 : i32
      %dma_start3A_37 = arith.constant 0 : i32
      %dma_start3A_38 = tpu.memref_slice %arg2[%dma_start3A, %dma_start3A_37] : memref<10000x128xf32, #tpu.memory_space<hbm>> -> memref<10000x128xf32, #tpu.memory_space<hbm>>
      tpu.enqueue_indirect_dma source(%dma_start3A_38 : memref<10000x128xf32, #tpu.memory_space<hbm>>) target(%arg9 : memref<128x128xf32, #tpu.memory_space<vmem>>) offsets(%arg7 : memref<128xi32, #tpu.memory_space<vmem>>) semaphore(%arg12 : memref<!tpu.dma_semaphore, #tpu.memory_space<semaphore_mem>>)
      %dma_wait3A = arith.constant 0 : i32
      %dma_wait3A_39 = arith.constant 0 : i32
      %dma_wait3A_40 = tpu.memref_slice %arg2[%dma_wait3A, %dma_wait3A_39] : memref<10000x128xf32, #tpu.memory_space<hbm>> -> memref<10000x128xf32, #tpu.memory_space<hbm>>
      tpu.wait_indirect_dma semaphore(%arg12 : memref<!tpu.dma_semaphore, #tpu.memory_space<semaphore_mem>>) src(%dma_wait3A_40 : memref<10000x128xf32, #tpu.memory_space<hbm>>) dst(%arg9 : memref<128x128xf32, #tpu.memory_space<vmem>>)
      "tpu.region"() ({
        %run_scoped3A = tpu.sem_alloc : memref<!tpu.dma_semaphore, #tpu.memory_space<semaphore_mem>>
        %dma_start3A_41 = arith.constant 0 : i32
        %dma_start3A_42 = arith.constant 0 : i32
        %dma_start3A_43 = tpu.memref_slice %arg11[%dma_start3A_41, %dma_start3A_42] : memref<10240x128xf32, #tpu.memory_space<vmem_shared>> -> memref<10240x128xf32, #tpu.memory_space<vmem_shared>>
        tpu.enqueue_indirect_dma source(%arg9 : memref<128x128xf32, #tpu.memory_space<vmem>>) target(%dma_start3A_43 : memref<10240x128xf32, #tpu.memory_space<vmem_shared>>) offsets(%arg8 : memref<128xi32, #tpu.memory_space<vmem>>) semaphore(%run_scoped3A : memref<!tpu.dma_semaphore, #tpu.memory_space<semaphore_mem>>) {add = true}
        %dma_wait3A_44 = arith.constant 0 : i32
        %dma_wait3A_45 = arith.constant 0 : i32
        %dma_wait3A_46 = tpu.memref_slice %arg11[%dma_wait3A_44, %dma_wait3A_45] : memref<10240x128xf32, #tpu.memory_space<vmem_shared>> -> memref<10240x128xf32, #tpu.memory_space<vmem_shared>>
        tpu.wait_indirect_dma semaphore(%run_scoped3A : memref<!tpu.dma_semaphore, #tpu.memory_space<semaphore_mem>>) src(%arg9 : memref<128x128xf32, #tpu.memory_space<vmem>>) dst(%dma_wait3A_46 : memref<10240x128xf32, #tpu.memory_space<vmem_shared>>)
        tpu.yield
      }) : () -> ()
    }
    %scan3A_27 = arith.constant 79 : i32
    %barrier3A_28 = arith.constant 0 : index
    tpu.barrier barrier_id(%barrier3A_28)
    %mul3A_29 = arith.constant 640 : i32
    %mul3A_30 = arith.muli %arg1, %mul3A_29 : i32
    %mul3A_31 = arith.constant 640 : i32
    %mul3A_32 = arith.muli %arg1, %mul3A_31 : i32
    "tpu.region"() ({
      %run_scoped3A = tpu.sem_alloc : memref<!tpu.dma_semaphore, #tpu.memory_space<semaphore_mem>>
      %dma_start3A = arith.constant 0 : i32
      %dma_start3A_33 = arith.constant 0 : i32
      %dma_start3A_34 = tpu.memref_slice %arg6[%arg0, %dma_start3A, %dma_start3A_33] : memref<2x10240x128xf32, #tpu.memory_space<hbm>> -> memref<1x10240x128xf32, #tpu.memory_space<hbm>>
      %dma_start3A_35 = tpu.memref_squeeze %dma_start3A_34 : memref<1x10240x128xf32, #tpu.memory_space<hbm>> -> memref<10240x128xf32, #tpu.memory_space<hbm>>
      %dma_start3A_36 = arith.constant 0 : i32
      %dma_start3A_37 = tpu.memref_slice %dma_start3A_35[%mul3A_32, %dma_start3A_36] : memref<10240x128xf32, #tpu.memory_space<hbm>> -> memref<640x128xf32, #tpu.memory_space<hbm>>
      %dma_start3A_38 = arith.constant 0 : i32
      %dma_start3A_39 = tpu.memref_slice %arg11[%mul3A_30, %dma_start3A_38] : memref<10240x128xf32, #tpu.memory_space<vmem_shared>> -> memref<640x128xf32, #tpu.memory_space<vmem_shared>>
      tpu.enqueue_dma source(%dma_start3A_39 : memref<640x128xf32, #tpu.memory_space<vmem_shared>>) target(%dma_start3A_37 : memref<640x128xf32, #tpu.memory_space<hbm>>) target_semaphore(%run_scoped3A : memref<!tpu.dma_semaphore, #tpu.memory_space<semaphore_mem>>)
      %dma_wait3A = arith.constant 0 : i32
      %dma_wait3A_40 = arith.constant 0 : i32
      %dma_wait3A_41 = tpu.memref_slice %arg6[%arg0, %dma_wait3A, %dma_wait3A_40] : memref<2x10240x128xf32, #tpu.memory_space<hbm>> -> memref<1x10240x128xf32, #tpu.memory_space<hbm>>
      %dma_wait3A_42 = tpu.memref_squeeze %dma_wait3A_41 : memref<1x10240x128xf32, #tpu.memory_space<hbm>> -> memref<10240x128xf32, #tpu.memory_space<hbm>>
      %dma_wait3A_43 = arith.constant 0 : i32
      %dma_wait3A_44 = tpu.memref_slice %dma_wait3A_42[%mul3A_32, %dma_wait3A_43] : memref<10240x128xf32, #tpu.memory_space<hbm>> -> memref<640x128xf32, #tpu.memory_space<hbm>>
      %dma_wait3A_45 = arith.constant 0 : i32
      %dma_wait3A_46 = tpu.memref_slice %arg11[%mul3A_30, %dma_wait3A_45] : memref<10240x128xf32, #tpu.memory_space<vmem_shared>> -> memref<640x128xf32, #tpu.memory_space<vmem_shared>>
      tpu.wait_dma2 semaphore(%run_scoped3A : memref<!tpu.dma_semaphore, #tpu.memory_space<semaphore_mem>>) src(%dma_wait3A_46 : memref<640x128xf32, #tpu.memory_space<vmem_shared>>) dst(%dma_wait3A_44 : memref<640x128xf32, #tpu.memory_space<hbm>>)
      tpu.yield
    }) : () -> ()
    return
  }
}

module attributes {stable_mosaic.version = 14 : i64} {
  func.func @_tc_mlp_body(%arg0: i32, %arg1: memref<400x128xf32, #tpu.memory_space<vmem>>, %arg2: memref<2x400x128xf32, #tpu.memory_space<vmem>>, %arg3: memref<1x1x400xi32, #tpu.memory_space<vmem>>, %arg4: memref<128x128xf32, #tpu.memory_space<vmem>>, %arg5: memref<1x128xf32, #tpu.memory_space<vmem>>, %arg6: memref<128x128xf32, #tpu.memory_space<vmem>>, %arg7: memref<1x128xf32, #tpu.memory_space<vmem>>, %arg8: memref<400x128xf32, #tpu.memory_space<vmem>>, %arg9: memref<512x128xf32, #tpu.memory_space<vmem>>) attributes {dimension_semantics = [#tpu.dimension_semantics<arbitrary>], iteration_bounds = array<i64: 25>, scalar_prefetch = 0 : i64, scratch_operands = 0 : i64, tpu.core_type = #tpu.core_type<tc>, window_params = [{transform_indices = @transform_0, window_bounds = array<i64: 400, 128>}, {transform_indices = @transform_1, window_bounds = array<i64: 2, 400, 128>}, {transform_indices = @transform_2, window_bounds = array<i64: 1, 1, 400>}, {pipeline_mode = #tpu.pipeline_mode<synchronous>, transform_indices = @transform_3, window_bounds = array<i64: 128, 128>}, {pipeline_mode = #tpu.pipeline_mode<synchronous>, transform_indices = @transform_4, window_bounds = array<i64: 1, 128>}, {pipeline_mode = #tpu.pipeline_mode<synchronous>, transform_indices = @transform_5, window_bounds = array<i64: 128, 128>}, {pipeline_mode = #tpu.pipeline_mode<synchronous>, transform_indices = @transform_6, window_bounds = array<i64: 1, 128>}, {transform_indices = @transform_7, window_bounds = array<i64: 400, 128>}, {pipeline_mode = #tpu.pipeline_mode<synchronous>, transform_indices = @transform_8, window_bounds = array<i64: 512, 128>}]} {
    %get3A = arith.constant 0 : index
    %get3A_0 = arith.constant 0 : index
    %get3A_1 = vector.load %arg1[%get3A, %get3A_0] : memref<400x128xf32, #tpu.memory_space<vmem>>, vector<400x128xf32>
    %get3A_2 = arith.constant 0 : index
    %get3A_3 = arith.constant 0 : index
    %get3A_4 = arith.constant 0 : index
    %get3A_5 = vector.load %arg2[%get3A_2, %get3A_3, %get3A_4] : memref<2x400x128xf32, #tpu.memory_space<vmem>>, vector<1x400x128xf32>
    %get3A_6 = vector.shape_cast %get3A_5 : vector<1x400x128xf32> to vector<400x128xf32>
    %add3A = arith.addf %get3A_1, %get3A_6 : vector<400x128xf32>
    %get3A_7 = arith.constant 1 : index
    %get3A_8 = arith.constant 0 : index
    %get3A_9 = arith.constant 0 : index
    %get3A_10 = vector.load %arg2[%get3A_7, %get3A_8, %get3A_9] : memref<2x400x128xf32, #tpu.memory_space<vmem>>, vector<1x400x128xf32>
    %get3A_11 = vector.shape_cast %get3A_10 : vector<1x400x128xf32> to vector<400x128xf32>
    %add3A_12 = arith.addf %add3A, %get3A_11 : vector<400x128xf32>
    %get3A_13 = arith.constant 0 : index
    %get3A_14 = arith.constant 0 : index
    %get3A_15 = vector.load %arg4[%get3A_13, %get3A_14] : memref<128x128xf32, #tpu.memory_space<vmem>>, vector<128x128xf32>
    %dot_general3A = arith.constant dense<0.000000e+00> : vector<400x128xf32>
    %dot_general3A_16 = tpu.matmul %add3A_12, %get3A_15, %dot_general3A {dimension_numbers = #tpu.dot_dimension_numbers<[1], [0], [0], [1], [0, 0, 1, 1], [], []>, transpose_lhs_hint = false} : vector<400x128xf32>, vector<128x128xf32>, vector<400x128xf32> -> vector<400x128xf32>
    %get3A_17 = arith.constant 0 : index
    %get3A_18 = arith.constant 0 : index
    %get3A_19 = vector.load %arg5[%get3A_17, %get3A_18] : memref<1x128xf32, #tpu.memory_space<vmem>>, vector<1x128xf32>
    %add3A_20 = vector.broadcast %get3A_19 : vector<1x128xf32> to vector<400x128xf32>
    %add3A_21 = arith.addf %dot_general3A_16, %add3A_20 : vector<400x128xf32>
    %max3A = arith.constant 0.000000e+00 : f32
    %max3A_22 = vector.broadcast %max3A : f32 to vector<400x128xf32>
    %max3A_23 = arith.maximumf %add3A_21, %max3A_22 : vector<400x128xf32>
    %get3A_24 = arith.constant 0 : index
    %get3A_25 = arith.constant 0 : index
    %get3A_26 = vector.load %arg6[%get3A_24, %get3A_25] : memref<128x128xf32, #tpu.memory_space<vmem>>, vector<128x128xf32>
    %dot_general3A_27 = arith.constant dense<0.000000e+00> : vector<400x128xf32>
    %dot_general3A_28 = tpu.matmul %max3A_23, %get3A_26, %dot_general3A_27 {dimension_numbers = #tpu.dot_dimension_numbers<[1], [0], [0], [1], [0, 0, 1, 1], [], []>, transpose_lhs_hint = false} : vector<400x128xf32>, vector<128x128xf32>, vector<400x128xf32> -> vector<400x128xf32>
    %get3A_29 = arith.constant 0 : index
    %get3A_30 = arith.constant 0 : index
    %get3A_31 = vector.load %arg7[%get3A_29, %get3A_30] : memref<1x128xf32, #tpu.memory_space<vmem>>, vector<1x128xf32>
    %add3A_32 = vector.broadcast %get3A_31 : vector<1x128xf32> to vector<400x128xf32>
    %add3A_33 = arith.addf %dot_general3A_28, %add3A_32 : vector<400x128xf32>
    %max3A_34 = arith.constant 0.000000e+00 : f32
    %max3A_35 = vector.broadcast %max3A_34 : f32 to vector<400x128xf32>
    %max3A_36 = arith.maximumf %add3A_33, %max3A_35 : vector<400x128xf32>
    %swap3A = arith.constant 0 : index
    %swap3A_37 = arith.constant 0 : index
    %swap3A_38 = vector.load %arg8[%swap3A, %swap3A_37] : memref<400x128xf32, #tpu.memory_space<vmem>>, vector<400x128xf32>
    tpu.vector_store %arg8[%swap3A, %swap3A_37], %max3A_36 {strides = array<i32>} : memref<400x128xf32, #tpu.memory_space<vmem>>, vector<400x128xf32>,
    %get3A_39 = arith.constant 0 : index
    %get3A_40 = arith.constant 0 : index
    %get3A_41 = arith.constant 0 : index
    %get3A_42 = vector.load %arg3[%get3A_39, %get3A_40, %get3A_41] : memref<1x1x400xi32, #tpu.memory_space<vmem>>, vector<1x1x400xi32>
    %get3A_43 = vector.shape_cast %get3A_42 : vector<1x1x400xi32> to vector<400xi32>
    %broadcast_in_dim3A = vector.shape_cast %get3A_43 : vector<400xi32> to vector<1x400xi32>
    %iota3A = tpu.iota {dimensions = array<i32: 0>} : vector<512x400xi32>
    %eq3A = vector.broadcast %broadcast_in_dim3A : vector<1x400xi32> to vector<512x400xi32>
    %eq3A_44 = arith.cmpi eq, %eq3A, %iota3A : vector<512x400xi32>
    %convert_element_type3A = arith.extui %eq3A_44 : vector<512x400xi1> to vector<512x400xi32>
    %convert_element_type3A_45 = arith.sitofp %convert_element_type3A : vector<512x400xi32> to vector<512x400xf32>
    %dot_general3A_46 = arith.constant dense<0.000000e+00> : vector<512x128xf32>
    %dot_general3A_47 = tpu.matmul %convert_element_type3A_45, %max3A_36, %dot_general3A_46 {dimension_numbers = #tpu.dot_dimension_numbers<[1], [0], [0], [1], [0, 0, 1, 1], [], []>, transpose_lhs_hint = false} : vector<512x400xf32>, vector<400x128xf32>, vector<512x128xf32> -> vector<512x128xf32>
    %eq3A_48 = arith.constant 0 : i32
    %eq3A_49 = arith.cmpi eq, %arg0, %eq3A_48 : i32
    %convert_element_type3A_50 = arith.extui %eq3A_49 : i1 to i32
    %cond3A = arith.constant 0 : i32
    %cond3A_51 = arith.cmpi ne, %convert_element_type3A_50, %cond3A : i32
    scf.if %cond3A_51 {
      %broadcast_in_dim3A_59 = arith.constant 0.000000e+00 : f32
      %broadcast_in_dim3A_60 = vector.broadcast %broadcast_in_dim3A_59 : f32 to vector<512x128xf32>
      %swap3A_61 = arith.constant 0 : index
      %swap3A_62 = arith.constant 0 : index
      %swap3A_63 = vector.load %arg9[%swap3A_61, %swap3A_62] : memref<512x128xf32, #tpu.memory_space<vmem>>, vector<512x128xf32>
      tpu.vector_store %arg9[%swap3A_61, %swap3A_62], %broadcast_in_dim3A_60 {strides = array<i32>} : memref<512x128xf32, #tpu.memory_space<vmem>>, vector<512x128xf32>,
    } else {
    }
    %get3A_52 = arith.constant 0 : index
    %get3A_53 = arith.constant 0 : index
    %get3A_54 = vector.load %arg9[%get3A_52, %get3A_53] : memref<512x128xf32, #tpu.memory_space<vmem>>, vector<512x128xf32>
    %add3A_55 = arith.addf %get3A_54, %dot_general3A_47 : vector<512x128xf32>
    %swap3A_56 = arith.constant 0 : index
    %swap3A_57 = arith.constant 0 : index
    %swap3A_58 = vector.load %arg9[%swap3A_56, %swap3A_57] : memref<512x128xf32, #tpu.memory_space<vmem>>, vector<512x128xf32>
    tpu.vector_store %arg9[%swap3A_56, %swap3A_57], %add3A_55 {strides = array<i32>} : memref<512x128xf32, #tpu.memory_space<vmem>>, vector<512x128xf32>,
    return
  }
  func.func @transform_0(%arg0: i32) -> (i32, i32) {
    %c0_i32 = arith.constant 0 : i32
    %c0_i32_0 = arith.constant 0 : i32
    return %arg0, %c0_i32 : i32, i32
  }
  func.func @transform_1(%arg0: i32) -> (i32, i32, i32) {
    %c0_i32 = arith.constant 0 : i32
    %c0_i32_0 = arith.constant 0 : i32
    %c0_i32_1 = arith.constant 0 : i32
    return %c0_i32, %arg0, %c0_i32_0 : i32, i32, i32
  }
  func.func @transform_2(%arg0: i32) -> (i32, i32, i32) {
    %c0_i32 = arith.constant 0 : i32
    %c0_i32_0 = arith.constant 0 : i32
    %c0_i32_1 = arith.constant 0 : i32
    return %arg0, %c0_i32, %c0_i32_0 : i32, i32, i32
  }
  func.func @transform_3(%arg0: i32) -> (i32, i32) {
    %c0_i32 = arith.constant 0 : i32
    %c0_i32_0 = arith.constant 0 : i32
    %c0_i32_1 = arith.constant 0 : i32
    return %c0_i32, %c0_i32_0 : i32, i32
  }
  func.func @transform_4(%arg0: i32) -> (i32, i32) {
    %c0_i32 = arith.constant 0 : i32
    %c0_i32_0 = arith.constant 0 : i32
    %c0_i32_1 = arith.constant 0 : i32
    return %c0_i32, %c0_i32_0 : i32, i32
  }
  func.func @transform_5(%arg0: i32) -> (i32, i32) {
    %c0_i32 = arith.constant 0 : i32
    %c0_i32_0 = arith.constant 0 : i32
    %c0_i32_1 = arith.constant 0 : i32
    return %c0_i32, %c0_i32_0 : i32, i32
  }
  func.func @transform_6(%arg0: i32) -> (i32, i32) {
    %c0_i32 = arith.constant 0 : i32
    %c0_i32_0 = arith.constant 0 : i32
    %c0_i32_1 = arith.constant 0 : i32
    return %c0_i32, %c0_i32_0 : i32, i32
  }
  func.func @transform_7(%arg0: i32) -> (i32, i32) {
    %c0_i32 = arith.constant 0 : i32
    %c0_i32_0 = arith.constant 0 : i32
    return %arg0, %c0_i32 : i32, i32
  }
  func.func @transform_8(%arg0: i32) -> (i32, i32) {
    %c0_i32 = arith.constant 0 : i32
    %c0_i32_0 = arith.constant 0 : i32
    %c0_i32_1 = arith.constant 0 : i32
    return %c0_i32, %c0_i32_0 : i32, i32
  }
}

</mosaic_0001>

<sc_bundles>
// kernel: kernel.11.cloned.1.call-start
scs
__scs_entry_jumppad:
0x0: {  	(pc) =	sbr.rel $0x88, $3  }
0x1: {  	(tag) =	ssettag $0x0;
	lr =	simm.s32 $0x1  }
0x2: {  	[smem:$0x3F92] =	sst lr;
	_ =	strace $0xD0000000  }
0x3: {  	_ = 	snop  }
0x4: {  	_ = 	snop  }
0x5: {  	_ = 	snop  }
0x6: {  	_ = 	snop  }
0x7: {  	_ = 	snop  }
__scs_overlays_trampoline_lowered:
0x8: {  	[smem:$0x3FA1] =	sst s0  }
0x9: {  	[smem:$0x3FA2] =	sst s1  }
0xa: {  	[smem:$0x3FA3] =	sst s2  }
0xb: {  	[smem:$0x3FA4] =	sst s3  }
0xc: {  	[smem:$0x3FA5] =	sst s4  }
0xd: {  	[smem:$0x3FA6] =	sst s5  }
0xe: {  	[smem:$0x3FA7] =	sst s6  }
0xf: {  	[smem:$0x3FA8] =	sst s7  }
0x10: {  	[smem:$0x3FA9] =	sst s8  }
0x11: {  	[smem:$0x3FAA] =	sst s9;
	s0 =	simm.s32 @!p0 $0x0  }
0x12: {  	s1 =	sld [smem:$0x3F90];
	s0 =	simm.s32 @p0 $0x1  }
0x13: {  	[smem:$0x3FAB] =	sst s0;
	s0 =	simm.s32 @!p1 $0x0  }
0x14: {  	s2 =	sld [smem:$0x3F8F];
	s0 =	simm.s32 @p1 $0x1  }
0x15: {  	[smem:$0x3FAC] =	sst s0;
	s0 =	simm.s32 @!p2 $0x0  }
0x16: {  	s3 =	sld [smem:$0x3FDB];
	s0 =	simm.s32 @p2 $0x1  }
0x17: {  	s4 =	simm.s32 $0x1BF5;
	[smem:$0x3FAE] =	sst s0  }
0x18: {  	s0 =	sld [smem:$0x3F91];
	_ =	swait.ge [sflag:s4], $0x0  }
0x19: {  	s7 =	sld [smem:$0x3F92]  }
0x1a: {  	s8 =	sadd.s32 $0xFFFFE003, lr  }
0x1b: {  	s9 =	sadd.s32 $0xFFFFFEF7, lr;
	s5 =	simm.s32 $0xFFFFFFFF;
	p2 =	slt.u32 s8, $0xFFFFF086  }
0x1c: {  	p1 =	slt.u32 s9, $0xF7A;
	s5 =	simm.s32 @!p2 $0x0  }
0x1d: {  	s5 =	simm.s32 @p1 $0x1;
	p0 =	seq.s32 s7, s2  }
0x1e: {  	s7 =	smul.u32 @!p0 $0xF7A, s2;
	p2 =	seq.s32 @!p0 s5, $0x0  }
0x1f: {  	s9 =	smul.u32 $0xF7A, s1;
	s8 =	simm.s32 @!p0 $0x1BF5;
	p2 =	por !p2, p0  }
0x20: {  	[sflag:s8] =	ssyncset.s32 @!p0 $0xFFFFF086;
	s6 =	sadd.s32 @!p0 s3, s7;
	s7 =	simm.s32 @!p0 $0x108  }
0x21: {  	s3 =	sadd.s32 s3, s9;
	s6 =	sadd.s32 @!p0 $0x88, s6;
	s7 =	simm.s32 @p2 $0x1082  }
0x22: {  	[simem:s7], [sflag:s8] =	dma.local @!p0 [hbm:s6], $0xF7A  }
0x23: {  	s9 =	sor.u32 $0xD0000000, s2;
	s6 =	simm.s32 $0x108;
	_ =	swait.ge @!p0 [sflag:s8], $0x0  }
0x24: {  	s3 =	sadd.s32 $0x88, s3;
	s6 =	simm.s32 @!p1 $0x1082;
	[sflag:s4] =	ssyncset.s32 $0xFFFFF086  }
0x25: {  	[simem:s6], [sflag:s4] =	dma.local [hbm:s3], $0xF7A  }
0x26: {  	[smem:$0x3F92] =	sst s1;
	(tag) =	ssettag s2;
	_ =	strace s9  }
0x27: {  	s1 =	sld [smem:$0x3FA2]  }
0x28: {  	s2 =	sld [smem:$0x3FA3]  }
0x29: {  	s4 =	sld [smem:$0x3FA5]  }
0x2a: {  	p0 =	seq.s32 s5, $0x0;
	s5 =	sld [smem:$0x3FA6]  }
0x2b: {  	s6 =	sld [smem:$0x3FA7]  }
0x2c: {  	s7 =	sld [smem:$0x3FA8]  }
0x2d: {  	s3 =	simm.s32 $0x108;
	s8 =	sld [smem:$0x3FA9]  }
0x2e: {  	s3 =	simm.s32 @!p0 $0x1082;
	s9 =	sld [smem:$0x3FAA]  }
0x2f: {  	lr =	sadd.s32 s0, s3;
	s0 =	sld [smem:$0x3FA1]  }
0x30: {  	s3 =	sld [smem:$0x3FA4]  }
0x31: {  	[smem:$0x3FAD] =	sst s10  }
0x32: {  	s10 =	sld [smem:$0x3FAB];
	_ =	sdelay $0x3  }
0x33: {  	p0 =	seq.s32 s10, $0x1;
	s10 =	sld [smem:$0x3FAD];
	_ =	sdelay $0x3  }
0x34: {  	[smem:$0x3FAD] =	sst s10  }
0x35: {  	s10 =	sld [smem:$0x3FAC];
	_ =	sdelay $0x3  }
0x36: {  	p1 =	seq.s32 s10, $0x1;
	s10 =	sld [smem:$0x3FAD];
	_ =	sdelay $0x3  }
0x37: {  	[smem:$0x3FAD] =	sst s10  }
0x38: {  	s10 =	sld [smem:$0x3FAE]  }
0x39: {  	_ = 	snop;
	(pc) =	sbr.ind lr, $3  }
0x3a: {  	_ = 	snop  }
0x3b: {  	_ = 	snop  }
0x3c: {  	p2 =	seq.s32 s10, $0x1;
	s10 =	sld [smem:$0x3FAD]  }
0x3d: {  	_ =	shalt  }
0x3e: {  	_ =	shalt  }
0x3f: {  	_ =	shalt  }
0x40: {  	_ =	shalt  }
0x41: {  	_ =	shalt  }
0x42: {  	_ =	shalt  }
0x43: {  	_ =	shalt  }
0x44: {  	_ =	shalt  }
0x45: {  	_ =	shalt  }
0x46: {  	_ =	shalt  }
0x47: {  	_ =	shalt  }
0x48: {  	_ =	shalt  }
0x49: {  	_ =	shalt  }
0x4a: {  	_ =	shalt  }
0x4b: {  	_ =	shalt  }
0x4c: {  	_ =	shalt  }
0x4d: {  	_ =	shalt  }
0x4e: {  	_ =	shalt  }
0x4f: {  	_ =	shalt  }
0x50: {  	_ =	shalt  }
0x51: {  	_ =	shalt  }
0x52: {  	_ =	shalt  }
0x53: {  	_ =	shalt  }
0x54: {  	_ =	shalt  }
0x55: {  	_ =	shalt  }
0x56: {  	_ =	shalt  }
0x57: {  	_ =	shalt  }
0x58: {  	_ =	shalt  }
0x59: {  	_ =	shalt  }
0x5a: {  	_ =	shalt  }
0x5b: {  	_ =	shalt  }
0x5c: {  	_ =	shalt  }
0x5d: {  	_ =	shalt  }
0x5e: {  	_ =	shalt  }
0x5f: {  	_ =	shalt  }
0x60: {  	_ =	shalt  }
0x61: {  	_ =	shalt  }
0x62: {  	_ =	shalt  }
0x63: {  	_ =	shalt  }
0x64: {  	_ =	shalt  }
0x65: {  	_ =	shalt  }
0x66: {  	_ =	shalt  }
0x67: {  	_ =	shalt  }
0x68: {  	_ =	shalt  }
0x69: {  	_ =	shalt  }
0x6a: {  	_ =	shalt  }
0x6b: {  	_ =	shalt  }
0x6c: {  	_ =	shalt  }
0x6d: {  	_ =	shalt  }
0x6e: {  	_ =	shalt  }
0x6f: {  	_ =	shalt  }
0x70: {  	_ =	shalt  }
0x71: {  	_ =	shalt  }
0x72: {  	_ =	shalt  }
0x73: {  	_ =	shalt  }
0x74: {  	_ =	shalt  }
0x75: {  	_ =	shalt  }
0x76: {  	_ =	shalt  }
0x77: {  	_ =	shalt  }
0x78: {  	_ =	shalt  }
0x79: {  	_ =	shalt  }
0x7a: {  	_ =	shalt  }
0x7b: {  	_ =	shalt  }
0x7c: {  	_ =	shalt  }
0x7d: {  	_ =	shalt  }
0x7e: {  	_ =	shalt  }
0x7f: {  	_ =	shalt  }
0x80: {  	_ =	shalt  }
0x81: {  	_ =	shalt  }
0x82: {  	_ =	shalt  }
0x83: {  	_ =	shalt  }
0x84: {  	_ =	shalt  }
0x85: {  	_ =	shalt  }
0x86: {  	_ =	shalt  }
0x87: {  	_ =	shalt  }
.Lfunc_end0:
.L_simem_size_0:
called_computation.1_lowered:
.L_overlay_start_0:
0x88: {  	s2 =	sld [smem:$0x3FD9]  }
0x89: {  	s3 =	sld [smem:$0x3FFE];
	_ =	sdelay $0x1  }
0x8a: {  	s1 =	srdreg.scid  }
0x8b: {  	s0 =	sand.u32 $0x1, s1  }
0x8c: {  	s14 =	sshll.u32 s0, $0xA;
	s2 =	sadd.s32 s3, s2  }
0x8d: {  	s2 =	sadd.s32 s2, s14  }
0x8e: {  	[smem:$0x3FB9] =	sst s2  }
0x8f: {  	_ = 	snop  }
0x90: {  	s2 =	sld [smem:$0x3FD0];
	_ =	sdelay $0x2  }
0x91: {  	s15 =	simm.s32 $0xA;
	s4 =	simm.s32 $0x10  }
0x92: {  	[smem:s4], [sflag:s15] =	dma.local [hbm:s2], $0x1  }
0x93: {  	_ =	swait.eq [sflag:s15], $0x1  }
0x94: {  	[sflag:s15] =	ssyncset.done $0x0  }
0x95: {  	s16 =	sld [smem:$0x10];
	[sflag:s15] =	ssyncadd.s32 $0xFFFFFFFF  }
0x96: {  	s17 =	sld [smem:$0x11];
	(tm) =	ssettm $0x1  }
0x97: {  	s18 =	sld [smem:$0x3FFB];
	_ =	sdelay $0x3  }
0x98: {  	_ =	strace s18  }
0x99: {  	s4 =	sld [smem:$0x3FFC];
	_ =	sdelay $0x3  }
0x9a: {  	_ =	strace s4  }
0x9b: {  	s4 =	sld [smem:$0x3FFD];
	_ =	sdelay $0x3  }
0x9c: {  	_ =	strace s4  }
0x9d: {  	_ =	strace $0x8FFFFFFF  }
0x9e: {  	s19 =	sld [smem:$0x3FDB];
	_ =	sdelay $0x1  }
0x9f: {  	s5 =	simm.s32 $_scs_section_size  }
0xa0: {  	s6 =	simm.s32 $_size__tile_overlayer_lowered;
	s7 =	simm.s32 $_tile_overlayer_lowered  }
0xa1: {  	s22 =	simm.s32 $0x1BFF;
	s21 =	sshll.u32 s7, $0x1;
	s4 =	sadd.s32 s5, s19  }
0xa2: {  	s8 =	simm.s32 $0x0;
	s20 =	sshll.u32 s6, $0x1;
	s6 =	sadd.s32 s21, s4  }
0xa3: {  	[timem:s8], [sflag:s22] =	dma.local [hbm:s6], s20  }
0xa4: {  	_ =	swait.ge [sflag:s22], s20  }
0xa5: {  	s5 =	ssub.s32 $0x0, s20;
	[sflag:s22] =	ssyncset.done $0x0  }
0xa6: {  	[sflag:s22] =	ssyncadd.s32 s5;
	_ =	sdelay $0x1  }
0xa7: {  	s23 =	simm.s32 $0x1B8B  }
0xa8: {  	_ =	swait.ge [sflag:s23], $0x1  }
0xa9: {  	[sflag:s23] =	ssyncset.done $0x0  }
0xaa: {  	s25 =	simm.s32 $0x1B8E;
	s24 =	sld [smem:$0x3FFE];
	[sflag:s23] =	ssyncadd.s32 $0xFFFFFFFF  }
0xab: {  	s26 =	simm.s32 $execute0_lowered;
	[smem:$0x3FD2] =	sst s25  }
0xac: {  	s6 =	sshll.u32 s26, $0x1;
	_ =	strace $0x80000049;
	[dreg:$0x1] =	wrdreg $0xFFFFFFFF  }
0xad: {  	s28 =	simm.s32 $_size_execute0_lowered;
	s4 =	sadd.s32 s4, s6;
	[dreg:$0x0] =	wrdreg $0x0  }
0xae: {  	s6 =	sshll.u32 s28, $0x1;
	[dreg:$0x2] =	wrdreg s4  }
0xaf: {  	[dreg:$0x3] =	wrdreg s6  }
0xb0: {  	[dreg:$0x4] =	wrdreg $0xC0  }
0xb1: {  	_ =	task [dreg:s8], $0x5FFFF  }
0xb2: {  	[dreg:$0x1] =	wrdreg $0xFFFFFFFF  }
0xb3: {  	[dreg:$0x0] =	wrdreg $0x60  }
0xb4: {  	[dreg:$0x2] =	wrdreg s24  }
0xb5: {  	[dreg:$0x3] =	wrdreg s16  }
0xb6: {  	[dreg:$0x4] =	wrdreg s17  }
0xb7: {  	[dreg:$0x5] =	wrdreg $0x81000  }
0xb8: {  	[dreg:$0x6] =	wrdreg $0x9  }
0xb9: {  	_ =	task.clear_ibuf [dreg:s8], $0x7FFFF;
	_ =	strace $0x90000049  }
0xba: {  	s29 =	simm.s32 $0x9;
	_ =	strace $0x8000004B  }
0xbb: {  	_ =	swait.ge [sflag:s29], $0x1  }
0xbc: {  	[sflag:s29] =	ssyncadd.s32 $0xFFFFFFFF  }
0xbd: {  	_ =	strace $0x9000004B  }
0xbe: {  	_ =	sfence  }
0xbf: {  	s30 =	sld [smem:$0x0];
	_ =	sdelay $0x2  }
0xc0: {  	s31 =	sshll.u32 s1, $0xD;
	s1 =	sshrl.u32 s1, $0x2  }
0xc1: {  	s3 =	sand.u32 $0x4000, s31;
	s1 =	sadd.s32 s1, s30  }
0xc2: {  	s0 =	sor.u32 s3, s0;
	s1 =	sshll.u32 s1, $0x11  }
0xc3: {  	s0 =	sor.u32 s1, s0  }
0xc4: {  	s0 =	sadd.s32 $0x8F2B, s0  }
0xc5: {  	[sflag:s0] =	ssyncadd.remote.s32 $0x1  }
0xc6: {  	_ =	sfence.sel $0xFFFF  }
0xc7: {  	[dreg:$0x0] =	wrdreg $0xFFFFFFFF;
	(pc) =	sbr.abs _section_cstart, $3  }
0xc8: {  	[dreg:$0x1] =	wrdreg $0xFFFFFFFF  }
0xc9: {  	_ =	task.clear_ibuf [dreg:s8], $0x2FFFF;
	_ =	strace $0x9FFFFFFF  }
0xca: {  	(tm) =	ssettm $0x7FFFFFFF  }
0xcb: {  	_ =	shalt  }
tec
execute0_lowered:
.L_overlay_start_1:
0x0: {  	(tag) =	ssettag $0x1  }
0x1: {  	s6 =	rddreg [dreg:$0x0]  }
0x2: {  	s1 =	rddreg [dreg:$0x1]  }
0x3: {  	s11 =	rddreg [dreg:$0x2]  }
0x4: {  	s2 =	rddreg [dreg:$0x3]  }
0x5: {  	s3 =	srdreg.scid;
	s0 =	rddreg [dreg:$0x4]  }
0x6: {  	s4 =	simm.s32 $0x0;
	s16 =	simm.s32 $0x80;
	s7 =	sand.u32 $0x1, s3  }
0x7: {  	s17 =	simm.s32 $0x100;
	s3 =	stileid.u32;
	s8 =	smul.u32 $0x4F00, s7  }
0x8: {  	s18 =	simm.s32 $0x1;
	s22 =	simm.s32 $0x0;
	s9 =	smul.u32 $0x50000, s3  }
0x9: {  	[smem:$0x7FF] =	sst s4;
	s5 =	sadd.s32 $0x17600, s6;
	s14 =	smul.u32 $0x28000, s7  }
0xa: {  	_ =	strace $0x8000004A;
	s10 =	ssub.s32 $0x2, s7;
	s15 =	smul.u32 $0x4F0, s3  }
0xb: {  	s20 =	smul.u32 $0x2800, s3;
	s31 =	sshll.u32 s3, $0x6;
	s28 =	sshrl.u32 s10, $0x1  }
0xc: {  	s12 =	sadd.s32 s8, s6;
	s29 =	sshrl.u32 s9, $0x2;
	s13 =	ssub.s32 s10, s28  }
0xd: {  	s19 =	sadd.s32 s11, s14;
	s14 =	simm.s32 $0x4100;
	s6 =	sadd.s32 s29, s2  }
0xe: {  	s11 =	smax.u32 s13, $0x1;
	s30 =	sadd.s32 s15, s12;
	s15 =	simm.s32 $0x2  }
0xf: {  	s19 =	sadd.s32 s20, s19;
	s20 =	sor.u32 $0x1C02, s31;
	s7 =	sadd.s32 $0x4000, s6  }
0x10: {  	s8 =	sadd.s32 $0x8000, s6;
	s9 =	sadd.s32 $0xC000, s6;
	s10 =	sadd.s32 $0x10000, s6  }
0x11: {  	s12 =	sadd.s32 $0x3A00, s30;
	s13 =	sadd.s32 $0xD800, s30;
	s21 =	sshrl.u32 s6, $0x3  }
.LBB2_1:
0x12: {  	[tilespmem:s14], [sflag:$0x2] =	stream.linear.gather [hbm4b:s1+s4], $0x4000, $0x38;
	[tilespmem:$0x1C100] =	vst v63  }
0x13: {  	_ =	swait.ge [sflag:s15], $0x4000  }
0x14: {  	[sflag:s15] =	ssyncset.done $0x0  }
0x15: {  	[sflag:s15] =	ssyncadd.s32 $0xFFFFC000  }
0x16: {  	[spmem:s6] =	stream.linear.scatter [tilespmem:s14], [sflag:$0x2], $0x4000, $0x38;
	[tilespmem:$0x1C100] =	vst v63  }
0x17: {  	_ =	swait.ge [sflag:s15], $0x4000  }
0x18: {  	[sflag:s15] =	ssyncset.done $0x0  }
0x19: {  	[sflag:s15] =	ssyncadd.s32 $0xFFFFC000  }
0x1a: {  	[spmem:s7] =	stream.linear.scatter [tilespmem:s14], [sflag:$0x2], $0x4000, $0x38;
	[tilespmem:$0x1C100] =	vst v63  }
0x1b: {  	_ =	swait.ge [sflag:s15], $0x4000  }
0x1c: {  	[sflag:s15] =	ssyncset.done $0x0  }
0x1d: {  	[sflag:s15] =	ssyncadd.s32 $0xFFFFC000  }
0x1e: {  	[spmem:s8] =	stream.linear.scatter [tilespmem:s14], [sflag:$0x2], $0x4000, $0x38;
	[tilespmem:$0x1C100] =	vst v63  }
0x1f: {  	_ =	swait.ge [sflag:s15], $0x4000  }
0x20: {  	[sflag:s15] =	ssyncset.done $0x0  }
0x21: {  	[sflag:s15] =	ssyncadd.s32 $0xFFFFC000  }
0x22: {  	[spmem:s9] =	stream.linear.scatter [tilespmem:s14], [sflag:$0x2], $0x4000, $0x38;
	[tilespmem:$0x1C100] =	vst v63  }
0x23: {  	_ =	swait.ge [sflag:s15], $0x4000  }
0x24: {  	[sflag:s15] =	ssyncset.done $0x0  }
0x25: {  	[sflag:s15] =	ssyncadd.s32 $0xFFFFC000  }
0x26: {  	[spmem:s10] =	stream.linear.scatter [tilespmem:s14], [sflag:$0x2], $0x4000, $0x38;
	[tilespmem:$0x1C100] =	vst v63  }
0x27: {  	_ =	swait.ge [sflag:s15], $0x4000  }
0x28: {  	[sflag:s15] =	ssyncset.done $0x0  }
0x29: {  	[sflag:s15] =	ssyncadd.s32 $0xFFFFC000  }
0x2a: {  	s23 =	sadd.s32 $0x0, s13;
	[bflag:$0x0] =	sbarrier.arrive $0xFFFF  }
0x2b: {  	[tilespmem:s4], [sflag:$0x2] =	stream.linear.gather [hbm4b:s23+s4], $0x80, $0x38;
	[tilespmem:$0x1C100] =	vst v63  }
0x2c: {  	_ =	swait.ge [sflag:s15], $0x80  }
0x2d: {  	[sflag:s15] =	ssyncset.done $0x0  }
0x2e: {  	s31 =	sadd.s32 $0x0, s12;
	[sflag:s15] =	ssyncadd.s32 $0xFFFFFF80  }
0x2f: {  	[tilespmem:s16], [sflag:$0x2] =	stream.linear.gather [hbm4b:s31+s4], $0x80, $0x38;
	[tilespmem:$0x1C100] =	vst v63  }
0x30: {  	_ =	swait.ge [sflag:s15], $0x80  }
0x31: {  	[sflag:s15] =	ssyncset.done $0x0  }
0x32: {  	[sflag:s15] =	ssyncadd.s32 $0xFFFFFF80  }
0x33: {  	[tilespmem:s17], [sflag:$0x1] =	stream.indirect.gather [hbm4b:s5+s16], $0x80, s4, s16, $0xb8;
	[tilespmem:$0x1C100] =	vst v63  }
0x34: {  	_ =	swait.ge [sflag:s18], $0x4000  }
0x35: {  	[sflag:s18] =	ssyncset.done $0x0  }
0x36: {  	[sflag:s18] =	ssyncadd.s32 $0xFFFFC000  }
0x37: {  	[spmem:s2] =	stream.indirect.scatter.add.f32 [tilespmem:s17], [sflag:$0x2], $0x80, s16, s16, $0xb8;
	[tilespmem:$0x1C100] =	vst v63  }
0x38: {  	_ =	swait.ge [sflag:s15], $0x4000  }
0x39: {  	s24 =	simm.s32 $0x20;
	s23 =	simm.s32 $0x10;
	[sflag:s15] =	ssyncset.done $0x0  }
.LBB2_2:
0x3a: {  	s25 =	sadd.s32 s23, s13  }
0x3b: {  	[sflag:s15] =	ssyncadd.s32 $0xFFFFC000;
	s26 =	smov.u32 s24;
	s28 =	sadd.s32 $0x10, s24  }
0x3c: {  	[tilespmem:s4], [sflag:$0x2] =	stream.linear.gather [hbm4b:s25+s4], $0x80, $0x38;
	[tilespmem:$0x1C100] =	vst v63  }
0x3d: {  	p0 =	sne.s32 s24, $0x4E0;
	_ =	swait.ge [sflag:s15], $0x80  }
0x3e: {  	[sflag:s15] =	ssyncset.done $0x0  }
0x3f: {  	s24 =	sadd.s32 s23, s12;
	s23 =	smov.u32 s26;
	[sflag:s15] =	ssyncadd.s32 $0xFFFFFF80  }
0x40: {  	[tilespmem:s16], [sflag:$0x2] =	stream.linear.gather [hbm4b:s24+s4], $0x80, $0x38;
	[tilespmem:$0x1C100] =	vst v63  }
0x41: {  	_ =	swait.ge [sflag:s15], $0x80  }
0x42: {  	[sflag:s15] =	ssyncset.done $0x0  }
0x43: {  	[sflag:s15] =	ssyncadd.s32 $0xFFFFFF80  }
0x44: {  	[tilespmem:s17], [sflag:$0x1] =	stream.indirect.gather [hbm4b:s5+s16], $0x80, s4, s16, $0xb8;
	[tilespmem:$0x1C100] =	vst v63  }
0x45: {  	_ =	swait.ge [sflag:s18], $0x4000  }
.Ltmp0:
0x46: {  	[sflag:s18] =	ssyncset.done $0x0;
	(pc) =	sbr.rel @p0 .LBB2_2-.Ltmp0, $4  }
0x47: {  	[sflag:s18] =	ssyncadd.s32 $0xFFFFC000  }
0x48: {  	[spmem:s2] =	stream.indirect.scatter.add.f32 [tilespmem:s17], [sflag:$0x2], $0x80, s16, s16, $0xb8;
	[tilespmem:$0x1C100] =	vst v63  }
0x49: {  	_ =	swait.ge [sflag:s15], $0x4000  }
0x4a: {  	s24 =	smov.u32 s28;
	[sflag:s15] =	ssyncset.done $0x0  }
0x4b: {  	s24 =	sadd.s32 s23, s13;
	[sflag:s15] =	ssyncadd.s32 $0xFFFFC000  }
0x4c: {  	[tilespmem:s4], [sflag:$0x2] =	stream.linear.gather [hbm4b:s24+s4], $0x80, $0x38;
	[tilespmem:$0x1C100] =	vst v63  }
0x4d: {  	_ =	swait.ge [sflag:s15], $0x80  }
0x4e: {  	[sflag:s15] =	ssyncset.done $0x0  }
0x4f: {  	s31 =	sadd.s32 s23, s12;
	[sflag:s15] =	ssyncadd.s32 $0xFFFFFF80  }
0x50: {  	[tilespmem:s16], [sflag:$0x2] =	stream.linear.gather [hbm4b:s31+s4], $0x80, $0x38;
	[tilespmem:$0x1C100] =	vst v63  }
0x51: {  	_ =	swait.ge [sflag:s15], $0x80  }
0x52: {  	[sflag:s15] =	ssyncset.done $0x0  }
0x53: {  	[sflag:s15] =	ssyncadd.s32 $0xFFFFFF80  }
0x54: {  	[tilespmem:s17], [sflag:$0x1] =	stream.indirect.gather [hbm4b:s5+s16], $0x80, s4, s16, $0xb8;
	[tilespmem:$0x1C100] =	vst v63  }
0x55: {  	_ =	swait.ge [sflag:s18], $0x4000  }
0x56: {  	[sflag:s18] =	ssyncset.done $0x0  }
0x57: {  	[sflag:s18] =	ssyncadd.s32 $0xFFFFC000  }
0x58: {  	[spmem:s2] =	stream.indirect.scatter.add.f32 [tilespmem:s17], [sflag:$0x2], $0x80, s16, s16, $0xb8;
	[tilespmem:$0x1C100] =	vst v63  }
0x59: {  	_ =	swait.ge [sflag:s15], $0x4000  }
0x5a: {  	s22 =	sadd.s32 $0x1, s22;
	[sflag:s15] =	ssyncset.done $0x0  }
0x5b: {  	p0 =	sne.s32 s22, s11;
	[sflag:s15] =	ssyncadd.s32 $0xFFFFC000  }
.Ltmp1:
0x5c: {  	[bflag:$0x0] =	sbarrier.arrive $0xFFFF;
	(pc) =	sbr.rel @p0 .LBB2_1-.Ltmp1, $4  }
0x5d: {  	[hbm:s19], [sflag:s20] =	dma.local [spmem:s21], $0x2800  }
0x5e: {  	_ =	swait.ge [sflag:s15], $0x2800  }
0x5f: {  	[sflag:s15] =	ssyncset.done $0x0  }
0x60: {  	[sflag:s15] =	ssyncadd.s32 $0xFFFFD800  }
0x61: {  	_ =	sfence.sel $0x180000  }
0x62: {  	[bflag:$0x0] =	sbarrier.arrive $0xFFFF  }
0x63: {  	p0 =	sne.s32 s3, $0x0;
	_ =	strace $0x9000004A  }
0x64: {  	s0 =	sadd.s32 @!p0 $0x100000, s0;
	[bflag:$0x2] =	sbarrier.arrive $0xFFFF  }
0x65: {  	[sflag:s0] =	ssyncadd.tile.s32 @!p0 $0x1;
	_ =	shalt  }
.Lfunc_end2:
_tile_overlayer_lowered:
.L_overlay_start_2:
0x66: {  	(tag) =	ssettag $0x2  }
0x67: {  	s0 =	rddreg [dreg:$0x0];
	s2 =	stileid.u32  }
0x68: {  	s1 =	rddreg [dreg:$0x1];
	p0 =	sne.s32 s2, $0x0  }
0x69: {  	s3 =	rddreg [dreg:$0x2];
	[bflag:$0x3] =	sbarrier.arrive $0xFFFF;
	s2 =	simm.s32 @!p0 $0x1C02  }
0x6a: {  	[timem:s3], [sflag:s2] =	dma.local @!p0 [hbm:s0], s1  }
0x6b: {  	s0 =	simm.s32 @!p0 $0x2  }
0x6c: {  	_ =	swait.ge @!p0 [sflag:s0], s1  }
0x6d: {  	s1 =	ssub.s32 @!p0 $0x0, s1;
	[sflag:s0] =	ssyncset.done @!p0 $0x0  }
0x6e: {  	[sflag:s0] =	ssyncadd.s32 @!p0 s1  }
0x6f: {  	[bflag:$0x3] =	sbarrier.arrive $0xFFFF  }
0x70: {  	_ =	shalt  }

// kernel: kernel.14.cloned.1.call-start
scs
__scs_entry_jumppad:
0x0: {  	(pc) =	sbr.rel $0x88, $3  }
0x1: {  	(tag) =	ssettag $0x0;
	lr =	simm.s32 $0x1  }
0x2: {  	[smem:$0x3F92] =	sst lr;
	_ =	strace $0xD0000000  }
0x3: {  	_ = 	snop  }
0x4: {  	_ = 	snop  }
0x5: {  	_ = 	snop  }
0x6: {  	_ = 	snop  }
0x7: {  	_ = 	snop  }
__scs_overlays_trampoline_lowered:
0x8: {  	[smem:$0x3FA1] =	sst s0  }
0x9: {  	[smem:$0x3FA2] =	sst s1  }
0xa: {  	[smem:$0x3FA3] =	sst s2  }
0xb: {  	[smem:$0x3FA4] =	sst s3  }
0xc: {  	[smem:$0x3FA5] =	sst s4  }
0xd: {  	[smem:$0x3FA6] =	sst s5  }
0xe: {  	[smem:$0x3FA7] =	sst s6  }
0xf: {  	[smem:$0x3FA8] =	sst s7  }
0x10: {  	[smem:$0x3FA9] =	sst s8  }
0x11: {  	[smem:$0x3FAA] =	sst s9;
	s0 =	simm.s32 @!p0 $0x0  }
0x12: {  	s1 =	sld [smem:$0x3F90];
	s0 =	simm.s32 @p0 $0x1  }
0x13: {  	[smem:$0x3FAB] =	sst s0;
	s0 =	simm.s32 @!p1 $0x0  }
0x14: {  	s2 =	sld [smem:$0x3F8F];
	s0 =	simm.s32 @p1 $0x1  }
0x15: {  	[smem:$0x3FAC] =	sst s0;
	s0 =	simm.s32 @!p2 $0x0  }
0x16: {  	s3 =	sld [smem:$0x3FDB];
	s0 =	simm.s32 @p2 $0x1  }
0x17: {  	s4 =	simm.s32 $0x1BF5;
	[smem:$0x3FAE] =	sst s0  }
0x18: {  	s0 =	sld [smem:$0x3F91];
	_ =	swait.ge [sflag:s4], $0x0  }
0x19: {  	s7 =	sld [smem:$0x3F92]  }
0x1a: {  	s8 =	sadd.s32 $0xFFFFE003, lr  }
0x1b: {  	s9 =	sadd.s32 $0xFFFFFEF7, lr;
	s5 =	simm.s32 $0xFFFFFFFF;
	p2 =	slt.u32 s8, $0xFFFFF086  }
0x1c: {  	p1 =	slt.u32 s9, $0xF7A;
	s5 =	simm.s32 @!p2 $0x0  }
0x1d: {  	s5 =	simm.s32 @p1 $0x1;
	p0 =	seq.s32 s7, s2  }
0x1e: {  	s7 =	smul.u32 @!p0 $0xF7A, s2;
	p2 =	seq.s32 @!p0 s5, $0x0  }
0x1f: {  	s9 =	smul.u32 $0xF7A, s1;
	s8 =	simm.s32 @!p0 $0x1BF5;
	p2 =	por !p2, p0  }
0x20: {  	[sflag:s8] =	ssyncset.s32 @!p0 $0xFFFFF086;
	s6 =	sadd.s32 @!p0 s3, s7;
	s7 =	simm.s32 @!p0 $0x108  }
0x21: {  	s3 =	sadd.s32 s3, s9;
	s6 =	sadd.s32 @!p0 $0x88, s6;
	s7 =	simm.s32 @p2 $0x1082  }
0x22: {  	[simem:s7], [sflag:s8] =	dma.local @!p0 [hbm:s6], $0xF7A  }
0x23: {  	s9 =	sor.u32 $0xD0000000, s2;
	s6 =	simm.s32 $0x108;
	_ =	swait.ge @!p0 [sflag:s8], $0x0  }
0x24: {  	s3 =	sadd.s32 $0x88, s3;
	s6 =	simm.s32 @!p1 $0x1082;
	[sflag:s4] =	ssyncset.s32 $0xFFFFF086  }
0x25: {  	[simem:s6], [sflag:s4] =	dma.local [hbm:s3], $0xF7A  }
0x26: {  	[smem:$0x3F92] =	sst s1;
	(tag) =	ssettag s2;
	_ =	strace s9  }
0x27: {  	s1 =	sld [smem:$0x3FA2]  }
0x28: {  	s2 =	sld [smem:$0x3FA3]  }
0x29: {  	s4 =	sld [smem:$0x3FA5]  }
0x2a: {  	p0 =	seq.s32 s5, $0x0;
	s5 =	sld [smem:$0x3FA6]  }
0x2b: {  	s6 =	sld [smem:$0x3FA7]  }
0x2c: {  	s7 =	sld [smem:$0x3FA8]  }
0x2d: {  	s3 =	simm.s32 $0x108;
	s8 =	sld [smem:$0x3FA9]  }
0x2e: {  	s3 =	simm.s32 @!p0 $0x1082;
	s9 =	sld [smem:$0x3FAA]  }
0x2f: {  	lr =	sadd.s32 s0, s3;
	s0 =	sld [smem:$0x3FA1]  }
0x30: {  	s3 =	sld [smem:$0x3FA4]  }
0x31: {  	[smem:$0x3FAD] =	sst s10  }
0x32: {  	s10 =	sld [smem:$0x3FAB];
	_ =	sdelay $0x3  }
0x33: {  	p0 =	seq.s32 s10, $0x1;
	s10 =	sld [smem:$0x3FAD];
	_ =	sdelay $0x3  }
0x34: {  	[smem:$0x3FAD] =	sst s10  }
0x35: {  	s10 =	sld [smem:$0x3FAC];
	_ =	sdelay $0x3  }
0x36: {  	p1 =	seq.s32 s10, $0x1;
	s10 =	sld [smem:$0x3FAD];
	_ =	sdelay $0x3  }
0x37: {  	[smem:$0x3FAD] =	sst s10  }
0x38: {  	s10 =	sld [smem:$0x3FAE]  }
0x39: {  	_ = 	snop;
	(pc) =	sbr.ind lr, $3  }
0x3a: {  	_ = 	snop  }
0x3b: {  	_ = 	snop  }
0x3c: {  	p2 =	seq.s32 s10, $0x1;
	s10 =	sld [smem:$0x3FAD]  }
0x3d: {  	_ =	shalt  }
0x3e: {  	_ =	shalt  }
0x3f: {  	_ =	shalt  }
0x40: {  	_ =	shalt  }
0x41: {  	_ =	shalt  }
0x42: {  	_ =	shalt  }
0x43: {  	_ =	shalt  }
0x44: {  	_ =	shalt  }
0x45: {  	_ =	shalt  }
0x46: {  	_ =	shalt  }
0x47: {  	_ =	shalt  }
0x48: {  	_ =	shalt  }
0x49: {  	_ =	shalt  }
0x4a: {  	_ =	shalt  }
0x4b: {  	_ =	shalt  }
0x4c: {  	_ =	shalt  }
0x4d: {  	_ =	shalt  }
0x4e: {  	_ =	shalt  }
0x4f: {  	_ =	shalt  }
0x50: {  	_ =	shalt  }
0x51: {  	_ =	shalt  }
0x52: {  	_ =	shalt  }
0x53: {  	_ =	shalt  }
0x54: {  	_ =	shalt  }
0x55: {  	_ =	shalt  }
0x56: {  	_ =	shalt  }
0x57: {  	_ =	shalt  }
0x58: {  	_ =	shalt  }
0x59: {  	_ =	shalt  }
0x5a: {  	_ =	shalt  }
0x5b: {  	_ =	shalt  }
0x5c: {  	_ =	shalt  }
0x5d: {  	_ =	shalt  }
0x5e: {  	_ =	shalt  }
0x5f: {  	_ =	shalt  }
0x60: {  	_ =	shalt  }
0x61: {  	_ =	shalt  }
0x62: {  	_ =	shalt  }
0x63: {  	_ =	shalt  }
0x64: {  	_ =	shalt  }
0x65: {  	_ =	shalt  }
0x66: {  	_ =	shalt  }
0x67: {  	_ =	shalt  }
0x68: {  	_ =	shalt  }
0x69: {  	_ =	shalt  }
0x6a: {  	_ =	shalt  }
0x6b: {  	_ =	shalt  }
0x6c: {  	_ =	shalt  }
0x6d: {  	_ =	shalt  }
0x6e: {  	_ =	shalt  }
0x6f: {  	_ =	shalt  }
0x70: {  	_ =	shalt  }
0x71: {  	_ =	shalt  }
0x72: {  	_ =	shalt  }
0x73: {  	_ =	shalt  }
0x74: {  	_ =	shalt  }
0x75: {  	_ =	shalt  }
0x76: {  	_ =	shalt  }
0x77: {  	_ =	shalt  }
0x78: {  	_ =	shalt  }
0x79: {  	_ =	shalt  }
0x7a: {  	_ =	shalt  }
0x7b: {  	_ =	shalt  }
0x7c: {  	_ =	shalt  }
0x7d: {  	_ =	shalt  }
0x7e: {  	_ =	shalt  }
0x7f: {  	_ =	shalt  }
0x80: {  	_ =	shalt  }
0x81: {  	_ =	shalt  }
0x82: {  	_ =	shalt  }
0x83: {  	_ =	shalt  }
0x84: {  	_ =	shalt  }
0x85: {  	_ =	shalt  }
0x86: {  	_ =	shalt  }
0x87: {  	_ =	shalt  }
.Lfunc_end0:
.L_simem_size_0:
called_computation.2_lowered:
.L_overlay_start_0:
0x88: {  	s2 =	sld [smem:$0x3FD9]  }
0x89: {  	s3 =	sld [smem:$0x3FFE];
	_ =	sdelay $0x1  }
0x8a: {  	s1 =	srdreg.scid  }
0x8b: {  	s0 =	sand.u32 $0x1, s1  }
0x8c: {  	s14 =	sshll.u32 s0, $0xA;
	s2 =	sadd.s32 s3, s2  }
0x8d: {  	s2 =	sadd.s32 s2, s14  }
0x8e: {  	[smem:$0x3FB9] =	sst s2  }
0x8f: {  	_ = 	snop  }
0x90: {  	s2 =	sld [smem:$0x3FD0];
	_ =	sdelay $0x2  }
0x91: {  	s15 =	simm.s32 $0xA;
	s4 =	simm.s32 $0x10  }
0x92: {  	[smem:s4], [sflag:s15] =	dma.local [hbm:s2], $0x1  }
0x93: {  	_ =	swait.eq [sflag:s15], $0x1  }
0x94: {  	[sflag:s15] =	ssyncset.done $0x0  }
0x95: {  	s16 =	sld [smem:$0x10];
	[sflag:s15] =	ssyncadd.s32 $0xFFFFFFFF  }
0x96: {  	s17 =	sld [smem:$0x11];
	(tm) =	ssettm $0x1  }
0x97: {  	s18 =	sld [smem:$0x3FFB];
	_ =	sdelay $0x3  }
0x98: {  	_ =	strace s18  }
0x99: {  	s4 =	sld [smem:$0x3FFC];
	_ =	sdelay $0x3  }
0x9a: {  	_ =	strace s4  }
0x9b: {  	s4 =	sld [smem:$0x3FFD];
	_ =	sdelay $0x3  }
0x9c: {  	_ =	strace s4  }
0x9d: {  	_ =	strace $0x8FFFFFFF  }
0x9e: {  	s19 =	sld [smem:$0x3FDB];
	_ =	sdelay $0x1  }
0x9f: {  	s5 =	simm.s32 $_scs_section_size  }
0xa0: {  	s6 =	simm.s32 $_size__tile_overlayer_lowered;
	s7 =	simm.s32 $_tile_overlayer_lowered  }
0xa1: {  	s22 =	simm.s32 $0x1BFF;
	s21 =	sshll.u32 s7, $0x1;
	s4 =	sadd.s32 s5, s19  }
0xa2: {  	s8 =	simm.s32 $0x0;
	s20 =	sshll.u32 s6, $0x1;
	s6 =	sadd.s32 s21, s4  }
0xa3: {  	[timem:s8], [sflag:s22] =	dma.local [hbm:s6], s20  }
0xa4: {  	_ =	swait.ge [sflag:s22], s20  }
0xa5: {  	s5 =	ssub.s32 $0x0, s20;
	[sflag:s22] =	ssyncset.done $0x0  }
0xa6: {  	[sflag:s22] =	ssyncadd.s32 s5;
	_ =	sdelay $0x1  }
0xa7: {  	s23 =	simm.s32 $0x1B8B  }
0xa8: {  	_ =	swait.ge [sflag:s23], $0x1  }
0xa9: {  	[sflag:s23] =	ssyncset.done $0x0  }
0xaa: {  	s25 =	simm.s32 $0x1B8E;
	s24 =	sld [smem:$0x3FFE];
	[sflag:s23] =	ssyncadd.s32 $0xFFFFFFFF  }
0xab: {  	s26 =	simm.s32 $execute0_lowered;
	[smem:$0x3FD2] =	sst s25  }
0xac: {  	s6 =	sshll.u32 s26, $0x1;
	_ =	strace $0x8000004C;
	[dreg:$0x1] =	wrdreg $0xFFFFFFFF  }
0xad: {  	s28 =	simm.s32 $_size_execute0_lowered;
	s4 =	sadd.s32 s4, s6;
	[dreg:$0x0] =	wrdreg $0x0  }
0xae: {  	s6 =	sshll.u32 s28, $0x1;
	[dreg:$0x2] =	wrdreg s4  }
0xaf: {  	[dreg:$0x3] =	wrdreg s6  }
0xb0: {  	[dreg:$0x4] =	wrdreg $0xC0  }
0xb1: {  	_ =	task [dreg:s8], $0x5FFFF  }
0xb2: {  	[dreg:$0x1] =	wrdreg $0xFFFFFFFF  }
0xb3: {  	[dreg:$0x0] =	wrdreg $0x60  }
0xb4: {  	[dreg:$0x2] =	wrdreg s24  }
0xb5: {  	[dreg:$0x3] =	wrdreg s16  }
0xb6: {  	[dreg:$0x4] =	wrdreg s17  }
0xb7: {  	[dreg:$0x5] =	wrdreg $0x81000  }
0xb8: {  	[dreg:$0x6] =	wrdreg $0x9  }
0xb9: {  	_ =	task.clear_ibuf [dreg:s8], $0x7FFFF;
	_ =	strace $0x9000004C  }
0xba: {  	s29 =	simm.s32 $0x9;
	_ =	strace $0x8000004E  }
0xbb: {  	_ =	swait.ge [sflag:s29], $0x1  }
0xbc: {  	[sflag:s29] =	ssyncadd.s32 $0xFFFFFFFF  }
0xbd: {  	_ =	strace $0x9000004E  }
0xbe: {  	_ =	sfence  }
0xbf: {  	s30 =	sld [smem:$0x0];
	_ =	sdelay $0x2  }
0xc0: {  	s31 =	sshll.u32 s1, $0xD;
	s1 =	sshrl.u32 s1, $0x2  }
0xc1: {  	s3 =	sand.u32 $0x4000, s31;
	s1 =	sadd.s32 s1, s30  }
0xc2: {  	s0 =	sor.u32 s3, s0;
	s1 =	sshll.u32 s1, $0x11  }
0xc3: {  	s0 =	sor.u32 s1, s0  }
0xc4: {  	s0 =	sadd.s32 $0x8F2B, s0  }
0xc5: {  	[sflag:s0] =	ssyncadd.remote.s32 $0x1  }
0xc6: {  	_ =	sfence.sel $0xFFFF  }
0xc7: {  	[dreg:$0x0] =	wrdreg $0xFFFFFFFF;
	(pc) =	sbr.abs _section_cstart, $3  }
0xc8: {  	[dreg:$0x1] =	wrdreg $0xFFFFFFFF  }
0xc9: {  	_ =	task.clear_ibuf [dreg:s8], $0x2FFFF;
	_ =	strace $0x9FFFFFFF  }
0xca: {  	(tm) =	ssettm $0x7FFFFFFF  }
0xcb: {  	_ =	shalt  }
tec
execute0_lowered:
.L_overlay_start_1:
0x0: {  	(tag) =	ssettag $0x1  }
0x1: {  	s6 =	rddreg [dreg:$0x0]  }
0x2: {  	s1 =	rddreg [dreg:$0x1]  }
0x3: {  	s11 =	rddreg [dreg:$0x2]  }
0x4: {  	s2 =	rddreg [dreg:$0x3]  }
0x5: {  	s3 =	srdreg.scid;
	s0 =	rddreg [dreg:$0x4]  }
0x6: {  	s4 =	simm.s32 $0x0;
	s16 =	simm.s32 $0x80;
	s7 =	sand.u32 $0x1, s3  }
0x7: {  	s17 =	simm.s32 $0x100;
	s3 =	stileid.u32;
	s8 =	smul.u32 $0x4F00, s7  }
0x8: {  	s18 =	simm.s32 $0x1;
	s22 =	simm.s32 $0x0;
	s9 =	smul.u32 $0x50000, s3  }
0x9: {  	[smem:$0x7FF] =	sst s4;
	s5 =	sadd.s32 $0x17600, s6;
	s14 =	smul.u32 $0x28000, s7  }
0xa: {  	_ =	strace $0x8000004D;
	s10 =	ssub.s32 $0x2, s7;
	s15 =	smul.u32 $0x4F0, s3  }
0xb: {  	s20 =	smul.u32 $0x2800, s3;
	s31 =	sshll.u32 s3, $0x6;
	s28 =	sshrl.u32 s10, $0x1  }
0xc: {  	s12 =	sadd.s32 s8, s6;
	s29 =	sshrl.u32 s9, $0x2;
	s13 =	ssub.s32 s10, s28  }
0xd: {  	s19 =	sadd.s32 s11, s14;
	s14 =	simm.s32 $0x4100;
	s6 =	sadd.s32 s29, s2  }
0xe: {  	s11 =	smax.u32 s13, $0x1;
	s30 =	sadd.s32 s15, s12;
	s15 =	simm.s32 $0x2  }
0xf: {  	s19 =	sadd.s32 s20, s19;
	s20 =	sor.u32 $0x1C02, s31;
	s7 =	sadd.s32 $0x4000, s6  }
0x10: {  	s8 =	sadd.s32 $0x8000, s6;
	s9 =	sadd.s32 $0xC000, s6;
	s10 =	sadd.s32 $0x10000, s6  }
0x11: {  	s12 =	sadd.s32 $0x3A00, s30;
	s13 =	sadd.s32 $0xD800, s30;
	s21 =	sshrl.u32 s6, $0x3  }
.LBB2_1:
0x12: {  	[tilespmem:s14], [sflag:$0x2] =	stream.linear.gather [hbm4b:s1+s4], $0x4000, $0x38;
	[tilespmem:$0x1C100] =	vst v63  }
0x13: {  	_ =	swait.ge [sflag:s15], $0x4000  }
0x14: {  	[sflag:s15] =	ssyncset.done $0x0  }
0x15: {  	[sflag:s15] =	ssyncadd.s32 $0xFFFFC000  }
0x16: {  	[spmem:s6] =	stream.linear.scatter [tilespmem:s14], [sflag:$0x2], $0x4000, $0x38;
	[tilespmem:$0x1C100] =	vst v63  }
0x17: {  	_ =	swait.ge [sflag:s15], $0x4000  }
0x18: {  	[sflag:s15] =	ssyncset.done $0x0  }
0x19: {  	[sflag:s15] =	ssyncadd.s32 $0xFFFFC000  }
0x1a: {  	[spmem:s7] =	stream.linear.scatter [tilespmem:s14], [sflag:$0x2], $0x4000, $0x38;
	[tilespmem:$0x1C100] =	vst v63  }
0x1b: {  	_ =	swait.ge [sflag:s15], $0x4000  }
0x1c: {  	[sflag:s15] =	ssyncset.done $0x0  }
0x1d: {  	[sflag:s15] =	ssyncadd.s32 $0xFFFFC000  }
0x1e: {  	[spmem:s8] =	stream.linear.scatter [tilespmem:s14], [sflag:$0x2], $0x4000, $0x38;
	[tilespmem:$0x1C100] =	vst v63  }
0x1f: {  	_ =	swait.ge [sflag:s15], $0x4000  }
0x20: {  	[sflag:s15] =	ssyncset.done $0x0  }
0x21: {  	[sflag:s15] =	ssyncadd.s32 $0xFFFFC000  }
0x22: {  	[spmem:s9] =	stream.linear.scatter [tilespmem:s14], [sflag:$0x2], $0x4000, $0x38;
	[tilespmem:$0x1C100] =	vst v63  }
0x23: {  	_ =	swait.ge [sflag:s15], $0x4000  }
0x24: {  	[sflag:s15] =	ssyncset.done $0x0  }
0x25: {  	[sflag:s15] =	ssyncadd.s32 $0xFFFFC000  }
0x26: {  	[spmem:s10] =	stream.linear.scatter [tilespmem:s14], [sflag:$0x2], $0x4000, $0x38;
	[tilespmem:$0x1C100] =	vst v63  }
0x27: {  	_ =	swait.ge [sflag:s15], $0x4000  }
0x28: {  	[sflag:s15] =	ssyncset.done $0x0  }
0x29: {  	[sflag:s15] =	ssyncadd.s32 $0xFFFFC000  }
0x2a: {  	s23 =	sadd.s32 $0x0, s13;
	[bflag:$0x0] =	sbarrier.arrive $0xFFFF  }
0x2b: {  	[tilespmem:s4], [sflag:$0x2] =	stream.linear.gather [hbm4b:s23+s4], $0x80, $0x38;
	[tilespmem:$0x1C100] =	vst v63  }
0x2c: {  	_ =	swait.ge [sflag:s15], $0x80  }
0x2d: {  	[sflag:s15] =	ssyncset.done $0x0  }
0x2e: {  	s31 =	sadd.s32 $0x0, s12;
	[sflag:s15] =	ssyncadd.s32 $0xFFFFFF80  }
0x2f: {  	[tilespmem:s16], [sflag:$0x2] =	stream.linear.gather [hbm4b:s31+s4], $0x80, $0x38;
	[tilespmem:$0x1C100] =	vst v63  }
0x30: {  	_ =	swait.ge [sflag:s15], $0x80  }
0x31: {  	[sflag:s15] =	ssyncset.done $0x0  }
0x32: {  	[sflag:s15] =	ssyncadd.s32 $0xFFFFFF80  }
0x33: {  	[tilespmem:s17], [sflag:$0x1] =	stream.indirect.gather [hbm4b:s5+s16], $0x80, s4, s16, $0xb8;
	[tilespmem:$0x1C100] =	vst v63  }
0x34: {  	_ =	swait.ge [sflag:s18], $0x4000  }
0x35: {  	[sflag:s18] =	ssyncset.done $0x0  }
0x36: {  	[sflag:s18] =	ssyncadd.s32 $0xFFFFC000  }
0x37: {  	[spmem:s2] =	stream.indirect.scatter.add.f32 [tilespmem:s17], [sflag:$0x2], $0x80, s16, s16, $0xb8;
	[tilespmem:$0x1C100] =	vst v63  }
0x38: {  	_ =	swait.ge [sflag:s15], $0x4000  }
0x39: {  	s24 =	simm.s32 $0x20;
	s23 =	simm.s32 $0x10;
	[sflag:s15] =	ssyncset.done $0x0  }
.LBB2_2:
0x3a: {  	s25 =	sadd.s32 s23, s13  }
0x3b: {  	[sflag:s15] =	ssyncadd.s32 $0xFFFFC000;
	s26 =	smov.u32 s24;
	s28 =	sadd.s32 $0x10, s24  }
0x3c: {  	[tilespmem:s4], [sflag:$0x2] =	stream.linear.gather [hbm4b:s25+s4], $0x80, $0x38;
	[tilespmem:$0x1C100] =	vst v63  }
0x3d: {  	p0 =	sne.s32 s24, $0x4E0;
	_ =	swait.ge [sflag:s15], $0x80  }
0x3e: {  	[sflag:s15] =	ssyncset.done $0x0  }
0x3f: {  	s24 =	sadd.s32 s23, s12;
	s23 =	smov.u32 s26;
	[sflag:s15] =	ssyncadd.s32 $0xFFFFFF80  }
0x40: {  	[tilespmem:s16], [sflag:$0x2] =	stream.linear.gather [hbm4b:s24+s4], $0x80, $0x38;
	[tilespmem:$0x1C100] =	vst v63  }
0x41: {  	_ =	swait.ge [sflag:s15], $0x80  }
0x42: {  	[sflag:s15] =	ssyncset.done $0x0  }
0x43: {  	[sflag:s15] =	ssyncadd.s32 $0xFFFFFF80  }
0x44: {  	[tilespmem:s17], [sflag:$0x1] =	stream.indirect.gather [hbm4b:s5+s16], $0x80, s4, s16, $0xb8;
	[tilespmem:$0x1C100] =	vst v63  }
0x45: {  	_ =	swait.ge [sflag:s18], $0x4000  }
.Ltmp0:
0x46: {  	[sflag:s18] =	ssyncset.done $0x0;
	(pc) =	sbr.rel @p0 .LBB2_2-.Ltmp0, $4  }
0x47: {  	[sflag:s18] =	ssyncadd.s32 $0xFFFFC000  }
0x48: {  	[spmem:s2] =	stream.indirect.scatter.add.f32 [tilespmem:s17], [sflag:$0x2], $0x80, s16, s16, $0xb8;
	[tilespmem:$0x1C100] =	vst v63  }
0x49: {  	_ =	swait.ge [sflag:s15], $0x4000  }
0x4a: {  	s24 =	smov.u32 s28;
	[sflag:s15] =	ssyncset.done $0x0  }
0x4b: {  	s24 =	sadd.s32 s23, s13;
	[sflag:s15] =	ssyncadd.s32 $0xFFFFC000  }
0x4c: {  	[tilespmem:s4], [sflag:$0x2] =	stream.linear.gather [hbm4b:s24+s4], $0x80, $0x38;
	[tilespmem:$0x1C100] =	vst v63  }
0x4d: {  	_ =	swait.ge [sflag:s15], $0x80  }
0x4e: {  	[sflag:s15] =	ssyncset.done $0x0  }
0x4f: {  	s31 =	sadd.s32 s23, s12;
	[sflag:s15] =	ssyncadd.s32 $0xFFFFFF80  }
0x50: {  	[tilespmem:s16], [sflag:$0x2] =	stream.linear.gather [hbm4b:s31+s4], $0x80, $0x38;
	[tilespmem:$0x1C100] =	vst v63  }
0x51: {  	_ =	swait.ge [sflag:s15], $0x80  }
0x52: {  	[sflag:s15] =	ssyncset.done $0x0  }
0x53: {  	[sflag:s15] =	ssyncadd.s32 $0xFFFFFF80  }
0x54: {  	[tilespmem:s17], [sflag:$0x1] =	stream.indirect.gather [hbm4b:s5+s16], $0x80, s4, s16, $0xb8;
	[tilespmem:$0x1C100] =	vst v63  }
0x55: {  	_ =	swait.ge [sflag:s18], $0x4000  }
0x56: {  	[sflag:s18] =	ssyncset.done $0x0  }
0x57: {  	[sflag:s18] =	ssyncadd.s32 $0xFFFFC000  }
0x58: {  	[spmem:s2] =	stream.indirect.scatter.add.f32 [tilespmem:s17], [sflag:$0x2], $0x80, s16, s16, $0xb8;
	[tilespmem:$0x1C100] =	vst v63  }
0x59: {  	_ =	swait.ge [sflag:s15], $0x4000  }
0x5a: {  	s22 =	sadd.s32 $0x1, s22;
	[sflag:s15] =	ssyncset.done $0x0  }
0x5b: {  	p0 =	sne.s32 s22, s11;
	[sflag:s15] =	ssyncadd.s32 $0xFFFFC000  }
.Ltmp1:
0x5c: {  	[bflag:$0x0] =	sbarrier.arrive $0xFFFF;
	(pc) =	sbr.rel @p0 .LBB2_1-.Ltmp1, $4  }
0x5d: {  	[hbm:s19], [sflag:s20] =	dma.local [spmem:s21], $0x2800  }
0x5e: {  	_ =	swait.ge [sflag:s15], $0x2800  }
0x5f: {  	[sflag:s15] =	ssyncset.done $0x0  }
0x60: {  	[sflag:s15] =	ssyncadd.s32 $0xFFFFD800  }
0x61: {  	_ =	sfence.sel $0x180000  }
0x62: {  	[bflag:$0x0] =	sbarrier.arrive $0xFFFF  }
0x63: {  	p0 =	sne.s32 s3, $0x0;
	_ =	strace $0x9000004D  }
0x64: {  	s0 =	sadd.s32 @!p0 $0x100000, s0;
	[bflag:$0x2] =	sbarrier.arrive $0xFFFF  }
0x65: {  	[sflag:s0] =	ssyncadd.tile.s32 @!p0 $0x1;
	_ =	shalt  }
.Lfunc_end2:
_tile_overlayer_lowered:
.L_overlay_start_2:
0x66: {  	(tag) =	ssettag $0x2  }
0x67: {  	s0 =	rddreg [dreg:$0x0];
	s2 =	stileid.u32  }
0x68: {  	s1 =	rddreg [dreg:$0x1];
	p0 =	sne.s32 s2, $0x0  }
0x69: {  	s3 =	rddreg [dreg:$0x2];
	[bflag:$0x3] =	sbarrier.arrive $0xFFFF;
	s2 =	simm.s32 @!p0 $0x1C02  }
0x6a: {  	[timem:s3], [sflag:s2] =	dma.local @!p0 [hbm:s0], s1  }
0x6b: {  	s0 =	simm.s32 @!p0 $0x2  }
0x6c: {  	_ =	swait.ge @!p0 [sflag:s0], s1  }
0x6d: {  	s1 =	ssub.s32 @!p0 $0x0, s1;
	[sflag:s0] =	ssyncset.done @!p0 $0x0  }
0x6e: {  	[sflag:s0] =	ssyncadd.s32 @!p0 s1  }
0x6f: {  	[bflag:$0x3] =	sbarrier.arrive $0xFFFF  }
0x70: {  	_ =	shalt  }

// kernel: kernel.8.cloned.1.call-start
scs
__scs_entry_jumppad:
0x0: {  	(pc) =	sbr.rel $0x88, $3  }
0x1: {  	(tag) =	ssettag $0x0;
	lr =	simm.s32 $0x1  }
0x2: {  	[smem:$0x3F92] =	sst lr;
	_ =	strace $0xD0000000  }
0x3: {  	_ = 	snop  }
0x4: {  	_ = 	snop  }
0x5: {  	_ = 	snop  }
0x6: {  	_ = 	snop  }
0x7: {  	_ = 	snop  }
__scs_overlays_trampoline_lowered:
0x8: {  	[smem:$0x3FA1] =	sst s0  }
0x9: {  	[smem:$0x3FA2] =	sst s1  }
0xa: {  	[smem:$0x3FA3] =	sst s2  }
0xb: {  	[smem:$0x3FA4] =	sst s3  }
0xc: {  	[smem:$0x3FA5] =	sst s4  }
0xd: {  	[smem:$0x3FA6] =	sst s5  }
0xe: {  	[smem:$0x3FA7] =	sst s6  }
0xf: {  	[smem:$0x3FA8] =	sst s7  }
0x10: {  	[smem:$0x3FA9] =	sst s8  }
0x11: {  	[smem:$0x3FAA] =	sst s9;
	s0 =	simm.s32 @!p0 $0x0  }
0x12: {  	s1 =	sld [smem:$0x3F90];
	s0 =	simm.s32 @p0 $0x1  }
0x13: {  	[smem:$0x3FAB] =	sst s0;
	s0 =	simm.s32 @!p1 $0x0  }
0x14: {  	s2 =	sld [smem:$0x3F8F];
	s0 =	simm.s32 @p1 $0x1  }
0x15: {  	[smem:$0x3FAC] =	sst s0;
	s0 =	simm.s32 @!p2 $0x0  }
0x16: {  	s3 =	sld [smem:$0x3FDB];
	s0 =	simm.s32 @p2 $0x1  }
0x17: {  	s4 =	simm.s32 $0x1BF5;
	[smem:$0x3FAE] =	sst s0  }
0x18: {  	s0 =	sld [smem:$0x3F91];
	_ =	swait.ge [sflag:s4], $0x0  }
0x19: {  	s7 =	sld [smem:$0x3F92]  }
0x1a: {  	s8 =	sadd.s32 $0xFFFFE003, lr  }
0x1b: {  	s9 =	sadd.s32 $0xFFFFFEF7, lr;
	s5 =	simm.s32 $0xFFFFFFFF;
	p2 =	slt.u32 s8, $0xFFFFF086  }
0x1c: {  	p1 =	slt.u32 s9, $0xF7A;
	s5 =	simm.s32 @!p2 $0x0  }
0x1d: {  	s5 =	simm.s32 @p1 $0x1;
	p0 =	seq.s32 s7, s2  }
0x1e: {  	s7 =	smul.u32 @!p0 $0xF7A, s2;
	p2 =	seq.s32 @!p0 s5, $0x0  }
0x1f: {  	s9 =	smul.u32 $0xF7A, s1;
	s8 =	simm.s32 @!p0 $0x1BF5;
	p2 =	por !p2, p0  }
0x20: {  	[sflag:s8] =	ssyncset.s32 @!p0 $0xFFFFF086;
	s6 =	sadd.s32 @!p0 s3, s7;
	s7 =	simm.s32 @!p0 $0x108  }
0x21: {  	s3 =	sadd.s32 s3, s9;
	s6 =	sadd.s32 @!p0 $0x88, s6;
	s7 =	simm.s32 @p2 $0x1082  }
0x22: {  	[simem:s7], [sflag:s8] =	dma.local @!p0 [hbm:s6], $0xF7A  }
0x23: {  	s9 =	sor.u32 $0xD0000000, s2;
	s6 =	simm.s32 $0x108;
	_ =	swait.ge @!p0 [sflag:s8], $0x0  }
0x24: {  	s3 =	sadd.s32 $0x88, s3;
	s6 =	simm.s32 @!p1 $0x1082;
	[sflag:s4] =	ssyncset.s32 $0xFFFFF086  }
0x25: {  	[simem:s6], [sflag:s4] =	dma.local [hbm:s3], $0xF7A  }
0x26: {  	[smem:$0x3F92] =	sst s1;
	(tag) =	ssettag s2;
	_ =	strace s9  }
0x27: {  	s1 =	sld [smem:$0x3FA2]  }
0x28: {  	s2 =	sld [smem:$0x3FA3]  }
0x29: {  	s4 =	sld [smem:$0x3FA5]  }
0x2a: {  	p0 =	seq.s32 s5, $0x0;
	s5 =	sld [smem:$0x3FA6]  }
0x2b: {  	s6 =	sld [smem:$0x3FA7]  }
0x2c: {  	s7 =	sld [smem:$0x3FA8]  }
0x2d: {  	s3 =	simm.s32 $0x108;
	s8 =	sld [smem:$0x3FA9]  }
0x2e: {  	s3 =	simm.s32 @!p0 $0x1082;
	s9 =	sld [smem:$0x3FAA]  }
0x2f: {  	lr =	sadd.s32 s0, s3;
	s0 =	sld [smem:$0x3FA1]  }
0x30: {  	s3 =	sld [smem:$0x3FA4]  }
0x31: {  	[smem:$0x3FAD] =	sst s10  }
0x32: {  	s10 =	sld [smem:$0x3FAB];
	_ =	sdelay $0x3  }
0x33: {  	p0 =	seq.s32 s10, $0x1;
	s10 =	sld [smem:$0x3FAD];
	_ =	sdelay $0x3  }
0x34: {  	[smem:$0x3FAD] =	sst s10  }
0x35: {  	s10 =	sld [smem:$0x3FAC];
	_ =	sdelay $0x3  }
0x36: {  	p1 =	seq.s32 s10, $0x1;
	s10 =	sld [smem:$0x3FAD];
	_ =	sdelay $0x3  }
0x37: {  	[smem:$0x3FAD] =	sst s10  }
0x38: {  	s10 =	sld [smem:$0x3FAE]  }
0x39: {  	_ = 	snop;
	(pc) =	sbr.ind lr, $3  }
0x3a: {  	_ = 	snop  }
0x3b: {  	_ = 	snop  }
0x3c: {  	p2 =	seq.s32 s10, $0x1;
	s10 =	sld [smem:$0x3FAD]  }
0x3d: {  	_ =	shalt  }
0x3e: {  	_ =	shalt  }
0x3f: {  	_ =	shalt  }
0x40: {  	_ =	shalt  }
0x41: {  	_ =	shalt  }
0x42: {  	_ =	shalt  }
0x43: {  	_ =	shalt  }
0x44: {  	_ =	shalt  }
0x45: {  	_ =	shalt  }
0x46: {  	_ =	shalt  }
0x47: {  	_ =	shalt  }
0x48: {  	_ =	shalt  }
0x49: {  	_ =	shalt  }
0x4a: {  	_ =	shalt  }
0x4b: {  	_ =	shalt  }
0x4c: {  	_ =	shalt  }
0x4d: {  	_ =	shalt  }
0x4e: {  	_ =	shalt  }
0x4f: {  	_ =	shalt  }
0x50: {  	_ =	shalt  }
0x51: {  	_ =	shalt  }
0x52: {  	_ =	shalt  }
0x53: {  	_ =	shalt  }
0x54: {  	_ =	shalt  }
0x55: {  	_ =	shalt  }
0x56: {  	_ =	shalt  }
0x57: {  	_ =	shalt  }
0x58: {  	_ =	shalt  }
0x59: {  	_ =	shalt  }
0x5a: {  	_ =	shalt  }
0x5b: {  	_ =	shalt  }
0x5c: {  	_ =	shalt  }
0x5d: {  	_ =	shalt  }
0x5e: {  	_ =	shalt  }
0x5f: {  	_ =	shalt  }
0x60: {  	_ =	shalt  }
0x61: {  	_ =	shalt  }
0x62: {  	_ =	shalt  }
0x63: {  	_ =	shalt  }
0x64: {  	_ =	shalt  }
0x65: {  	_ =	shalt  }
0x66: {  	_ =	shalt  }
0x67: {  	_ =	shalt  }
0x68: {  	_ =	shalt  }
0x69: {  	_ =	shalt  }
0x6a: {  	_ =	shalt  }
0x6b: {  	_ =	shalt  }
0x6c: {  	_ =	shalt  }
0x6d: {  	_ =	shalt  }
0x6e: {  	_ =	shalt  }
0x6f: {  	_ =	shalt  }
0x70: {  	_ =	shalt  }
0x71: {  	_ =	shalt  }
0x72: {  	_ =	shalt  }
0x73: {  	_ =	shalt  }
0x74: {  	_ =	shalt  }
0x75: {  	_ =	shalt  }
0x76: {  	_ =	shalt  }
0x77: {  	_ =	shalt  }
0x78: {  	_ =	shalt  }
0x79: {  	_ =	shalt  }
0x7a: {  	_ =	shalt  }
0x7b: {  	_ =	shalt  }
0x7c: {  	_ =	shalt  }
0x7d: {  	_ =	shalt  }
0x7e: {  	_ =	shalt  }
0x7f: {  	_ =	shalt  }
0x80: {  	_ =	shalt  }
0x81: {  	_ =	shalt  }
0x82: {  	_ =	shalt  }
0x83: {  	_ =	shalt  }
0x84: {  	_ =	shalt  }
0x85: {  	_ =	shalt  }
0x86: {  	_ =	shalt  }
0x87: {  	_ =	shalt  }
.Lfunc_end0:
.L_simem_size_0:
called_computation_lowered:
.L_overlay_start_0:
0x88: {  	s2 =	sld [smem:$0x3FD9]  }
0x89: {  	s3 =	sld [smem:$0x3FFE];
	_ =	sdelay $0x1  }
0x8a: {  	s1 =	srdreg.scid  }
0x8b: {  	s0 =	sand.u32 $0x1, s1  }
0x8c: {  	s14 =	sshll.u32 s0, $0xA;
	s2 =	sadd.s32 s3, s2  }
0x8d: {  	s2 =	sadd.s32 s2, s14  }
0x8e: {  	[smem:$0x3FB9] =	sst s2  }
0x8f: {  	_ = 	snop  }
0x90: {  	s2 =	sld [smem:$0x3FD0];
	_ =	sdelay $0x2  }
0x91: {  	s4 =	simm.s32 $0xA;
	s5 =	simm.s32 $0x10;
	s15 =	sld [smem:$0x3FC9]  }
0x92: {  	[smem:s5], [sflag:s4] =	dma.local [hbm:s2], $0x1  }
0x93: {  	_ =	swait.eq [sflag:s4], $0x1  }
0x94: {  	[sflag:s4] =	ssyncset.done $0x0  }
0x95: {  	s16 =	sld [smem:$0x10];
	[sflag:s4] =	ssyncadd.s32 $0xFFFFFFFF  }
0x96: {  	s17 =	sld [smem:$0x11];
	(tm) =	ssettm $0x1  }
0x97: {  	s18 =	sld [smem:$0x3FFB];
	_ =	sdelay $0x3  }
0x98: {  	_ =	strace s18  }
0x99: {  	s5 =	sld [smem:$0x3FFC];
	_ =	sdelay $0x3  }
0x9a: {  	_ =	strace s5  }
0x9b: {  	s5 =	sld [smem:$0x3FFD];
	_ =	sdelay $0x3  }
0x9c: {  	_ =	strace s5  }
0x9d: {  	_ =	strace $0x8FFFFFFF  }
0x9e: {  	s19 =	sld [smem:$0x3FDB];
	_ =	sdelay $0x1  }
0x9f: {  	s6 =	simm.s32 $_scs_section_size  }
0xa0: {  	s7 =	simm.s32 $_size__tile_overlayer_lowered;
	s8 =	simm.s32 $_tile_overlayer_lowered  }
0xa1: {  	s22 =	simm.s32 $0x1BFF;
	s21 =	sshll.u32 s8, $0x1;
	s5 =	sadd.s32 s6, s19  }
0xa2: {  	s9 =	simm.s32 $0x0;
	s20 =	sshll.u32 s7, $0x1;
	s7 =	sadd.s32 s21, s5  }
0xa3: {  	[timem:s9], [sflag:s22] =	dma.local [hbm:s7], s20  }
0xa4: {  	_ =	swait.ge [sflag:s22], s20  }
0xa5: {  	s6 =	ssub.s32 $0x0, s20;
	[sflag:s22] =	ssyncset.done $0x0  }
0xa6: {  	[sflag:s22] =	ssyncadd.s32 s6;
	_ =	sdelay $0x1  }
0xa7: {  	s23 =	simm.s32 $0x1B8B  }
0xa8: {  	_ =	swait.ge [sflag:s23], $0x1  }
0xa9: {  	[sflag:s23] =	ssyncset.done $0x0  }
0xaa: {  	s25 =	simm.s32 $0x1B8E;
	s24 =	sld [smem:$0x3FFE];
	[sflag:s23] =	ssyncadd.s32 $0xFFFFFFFF  }
0xab: {  	s26 =	simm.s32 $execute0_lowered;
	[smem:$0x3FD2] =	sst s25  }
0xac: {  	s7 =	sshll.u32 s26, $0x1;
	_ =	strace $0x80000046;
	[dreg:$0x1] =	wrdreg $0xFFFFFFFF  }
0xad: {  	s28 =	simm.s32 $_size_execute0_lowered;
	s5 =	sadd.s32 s5, s7;
	[dreg:$0x0] =	wrdreg $0x0  }
0xae: {  	s7 =	sshll.u32 s28, $0x1;
	[dreg:$0x2] =	wrdreg s5  }
0xaf: {  	[dreg:$0x3] =	wrdreg s7  }
0xb0: {  	[dreg:$0x4] =	wrdreg $0xC0  }
0xb1: {  	_ =	task [dreg:s9], $0x5FFFF  }
0xb2: {  	[dreg:$0x1] =	wrdreg $0xFFFFFFFF  }
0xb3: {  	[dreg:$0x0] =	wrdreg $0x60  }
0xb4: {  	[dreg:$0x2] =	wrdreg s15  }
0xb5: {  	[dreg:$0x3] =	wrdreg s24  }
0xb6: {  	[dreg:$0x4] =	wrdreg s16  }
0xb7: {  	[dreg:$0x5] =	wrdreg s17  }
0xb8: {  	[dreg:$0x6] =	wrdreg $0x81000  }
0xb9: {  	[dreg:$0x7] =	wrdreg $0x9  }
0xba: {  	_ =	task.clear_ibuf [dreg:s9], $0x8FFFF;
	_ =	strace $0x90000046  }
0xbb: {  	s29 =	simm.s32 $0x9;
	_ =	strace $0x80000048  }
0xbc: {  	_ =	swait.ge [sflag:s29], $0x1  }
0xbd: {  	[sflag:s29] =	ssyncadd.s32 $0xFFFFFFFF  }
0xbe: {  	_ =	strace $0x90000048  }
0xbf: {  	_ =	sfence  }
0xc0: {  	s30 =	sld [smem:$0x0];
	_ =	sdelay $0x2  }
0xc1: {  	s31 =	sshll.u32 s1, $0xD;
	s1 =	sshrl.u32 s1, $0x2  }
0xc2: {  	s3 =	sand.u32 $0x4000, s31;
	s1 =	sadd.s32 s1, s30  }
0xc3: {  	s0 =	sor.u32 s3, s0;
	s1 =	sshll.u32 s1, $0x11  }
0xc4: {  	s0 =	sor.u32 s1, s0  }
0xc5: {  	s0 =	sadd.s32 $0x8F2B, s0  }
0xc6: {  	[sflag:s0] =	ssyncadd.remote.s32 $0x1  }
0xc7: {  	_ =	sfence.sel $0xFFFF  }
0xc8: {  	[dreg:$0x0] =	wrdreg $0xFFFFFFFF;
	(pc) =	sbr.abs _section_cstart, $3  }
0xc9: {  	[dreg:$0x1] =	wrdreg $0xFFFFFFFF  }
0xca: {  	_ =	task.clear_ibuf [dreg:s9], $0x2FFFF;
	_ =	strace $0x9FFFFFFF  }
0xcb: {  	(tm) =	ssettm $0x7FFFFFFF  }
tec
execute0_lowered:
.L_overlay_start_1:
0x0: {  	(tag) =	ssettag $0x1  }
0x1: {  	s1 =	rddreg [dreg:$0x0]  }
0x2: {  	s6 =	rddreg [dreg:$0x1]  }
0x3: {  	s2 =	rddreg [dreg:$0x2]  }
0x4: {  	s11 =	rddreg [dreg:$0x3]  }
0x5: {  	s3 =	rddreg [dreg:$0x4];
	s4 =	srdreg.scid  }
0x6: {  	s0 =	rddreg [dreg:$0x5];
	s5 =	simm.s32 $0x0;
	s7 =	sand.u32 $0x1, s4  }
0x7: {  	s16 =	simm.s32 $0x80;
	s4 =	stileid.u32;
	s8 =	smul.u32 $0x4F00, s7  }
0x8: {  	s17 =	simm.s32 $0x100;
	s18 =	simm.s32 $0x1;
	s9 =	smul.u32 $0x50000, s4  }
0x9: {  	s22 =	simm.s32 $0x0;
	[smem:$0x7FF] =	sst s5;
	s14 =	smul.u32 $0x28000, s7  }
0xa: {  	_ =	strace $0x80000047;
	s10 =	ssub.s32 $0x2, s7;
	s15 =	smul.u32 $0x4F0, s4  }
0xb: {  	s20 =	smul.u32 $0x2800, s4;
	s31 =	sshll.u32 s4, $0x6;
	s28 =	sshrl.u32 s10, $0x1  }
0xc: {  	s12 =	sadd.s32 s8, s6;
	s29 =	sshrl.u32 s9, $0x2;
	s13 =	ssub.s32 s10, s28  }
0xd: {  	s19 =	sadd.s32 s11, s14;
	s14 =	simm.s32 $0x4100;
	s6 =	sadd.s32 s29, s3  }
0xe: {  	s11 =	smax.u32 s13, $0x1;
	s30 =	sadd.s32 s15, s12;
	s15 =	simm.s32 $0x2  }
0xf: {  	s19 =	sadd.s32 s20, s19;
	s20 =	sor.u32 $0x1C02, s31;
	s7 =	sadd.s32 $0x4000, s6  }
0x10: {  	s8 =	sadd.s32 $0x8000, s6;
	s9 =	sadd.s32 $0xC000, s6;
	s10 =	sadd.s32 $0x10000, s6  }
0x11: {  	s12 =	sadd.s32 $0x3A00, s30;
	s13 =	sadd.s32 $0xD800, s30;
	s21 =	sshrl.u32 s6, $0x3  }
.LBB2_1:
0x12: {  	[tilespmem:s14], [sflag:$0x2] =	stream.linear.gather [hbm4b:s2+s5], $0x4000, $0x38;
	[tilespmem:$0x1C100] =	vst v63  }
0x13: {  	_ =	swait.ge [sflag:s15], $0x4000  }
0x14: {  	[sflag:s15] =	ssyncset.done $0x0  }
0x15: {  	[sflag:s15] =	ssyncadd.s32 $0xFFFFC000  }
0x16: {  	[spmem:s6] =	stream.linear.scatter [tilespmem:s14], [sflag:$0x2], $0x4000, $0x38;
	[tilespmem:$0x1C100] =	vst v63  }
0x17: {  	_ =	swait.ge [sflag:s15], $0x4000  }
0x18: {  	[sflag:s15] =	ssyncset.done $0x0  }
0x19: {  	[sflag:s15] =	ssyncadd.s32 $0xFFFFC000  }
0x1a: {  	[spmem:s7] =	stream.linear.scatter [tilespmem:s14], [sflag:$0x2], $0x4000, $0x38;
	[tilespmem:$0x1C100] =	vst v63  }
0x1b: {  	_ =	swait.ge [sflag:s15], $0x4000  }
0x1c: {  	[sflag:s15] =	ssyncset.done $0x0  }
0x1d: {  	[sflag:s15] =	ssyncadd.s32 $0xFFFFC000  }
0x1e: {  	[spmem:s8] =	stream.linear.scatter [tilespmem:s14], [sflag:$0x2], $0x4000, $0x38;
	[tilespmem:$0x1C100] =	vst v63  }
0x1f: {  	_ =	swait.ge [sflag:s15], $0x4000  }
0x20: {  	[sflag:s15] =	ssyncset.done $0x0  }
0x21: {  	[sflag:s15] =	ssyncadd.s32 $0xFFFFC000  }
0x22: {  	[spmem:s9] =	stream.linear.scatter [tilespmem:s14], [sflag:$0x2], $0x4000, $0x38;
	[tilespmem:$0x1C100] =	vst v63  }
0x23: {  	_ =	swait.ge [sflag:s15], $0x4000  }
0x24: {  	[sflag:s15] =	ssyncset.done $0x0  }
0x25: {  	[sflag:s15] =	ssyncadd.s32 $0xFFFFC000  }
0x26: {  	[spmem:s10] =	stream.linear.scatter [tilespmem:s14], [sflag:$0x2], $0x4000, $0x38;
	[tilespmem:$0x1C100] =	vst v63  }
0x27: {  	_ =	swait.ge [sflag:s15], $0x4000  }
0x28: {  	[sflag:s15] =	ssyncset.done $0x0  }
0x29: {  	[sflag:s15] =	ssyncadd.s32 $0xFFFFC000  }
0x2a: {  	s23 =	sadd.s32 $0x0, s13;
	[bflag:$0x0] =	sbarrier.arrive $0xFFFF  }
0x2b: {  	[tilespmem:s5], [sflag:$0x2] =	stream.linear.gather [hbm4b:s23+s5], $0x80, $0x38;
	[tilespmem:$0x1C100] =	vst v63  }
0x2c: {  	_ =	swait.ge [sflag:s15], $0x80  }
0x2d: {  	[sflag:s15] =	ssyncset.done $0x0  }
0x2e: {  	s31 =	sadd.s32 $0x0, s12;
	[sflag:s15] =	ssyncadd.s32 $0xFFFFFF80  }
0x2f: {  	[tilespmem:s16], [sflag:$0x2] =	stream.linear.gather [hbm4b:s31+s5], $0x80, $0x38;
	[tilespmem:$0x1C100] =	vst v63  }
0x30: {  	_ =	swait.ge [sflag:s15], $0x80  }
0x31: {  	[sflag:s15] =	ssyncset.done $0x0  }
0x32: {  	[sflag:s15] =	ssyncadd.s32 $0xFFFFFF80  }
0x33: {  	[tilespmem:s17], [sflag:$0x1] =	stream.indirect.gather [hbm4b:s1+s16], $0x80, s5, s16, $0xb8;
	[tilespmem:$0x1C100] =	vst v63  }
0x34: {  	_ =	swait.ge [sflag:s18], $0x4000  }
0x35: {  	[sflag:s18] =	ssyncset.done $0x0  }
0x36: {  	[sflag:s18] =	ssyncadd.s32 $0xFFFFC000  }
0x37: {  	[spmem:s3] =	stream.indirect.scatter.add.f32 [tilespmem:s17], [sflag:$0x2], $0x80, s16, s16, $0xb8;
	[tilespmem:$0x1C100] =	vst v63  }
0x38: {  	_ =	swait.ge [sflag:s15], $0x4000  }
0x39: {  	s24 =	simm.s32 $0x20;
	s23 =	simm.s32 $0x10;
	[sflag:s15] =	ssyncset.done $0x0  }
.LBB2_2:
0x3a: {  	s25 =	sadd.s32 s23, s13  }
0x3b: {  	[sflag:s15] =	ssyncadd.s32 $0xFFFFC000;
	s26 =	smov.u32 s24;
	s28 =	sadd.s32 $0x10, s24  }
0x3c: {  	[tilespmem:s5], [sflag:$0x2] =	stream.linear.gather [hbm4b:s25+s5], $0x80, $0x38;
	[tilespmem:$0x1C100] =	vst v63  }
0x3d: {  	p0 =	sne.s32 s24, $0x4E0;
	_ =	swait.ge [sflag:s15], $0x80  }
0x3e: {  	[sflag:s15] =	ssyncset.done $0x0  }
0x3f: {  	s24 =	sadd.s32 s23, s12;
	s23 =	smov.u32 s26;
	[sflag:s15] =	ssyncadd.s32 $0xFFFFFF80  }
0x40: {  	[tilespmem:s16], [sflag:$0x2] =	stream.linear.gather [hbm4b:s24+s5], $0x80, $0x38;
	[tilespmem:$0x1C100] =	vst v63  }
0x41: {  	_ =	swait.ge [sflag:s15], $0x80  }
0x42: {  	[sflag:s15] =	ssyncset.done $0x0  }
0x43: {  	[sflag:s15] =	ssyncadd.s32 $0xFFFFFF80  }
0x44: {  	[tilespmem:s17], [sflag:$0x1] =	stream.indirect.gather [hbm4b:s1+s16], $0x80, s5, s16, $0xb8;
	[tilespmem:$0x1C100] =	vst v63  }
0x45: {  	_ =	swait.ge [sflag:s18], $0x4000  }
.Ltmp0:
0x46: {  	[sflag:s18] =	ssyncset.done $0x0;
	(pc) =	sbr.rel @p0 .LBB2_2-.Ltmp0, $4  }
0x47: {  	[sflag:s18] =	ssyncadd.s32 $0xFFFFC000  }
0x48: {  	[spmem:s3] =	stream.indirect.scatter.add.f32 [tilespmem:s17], [sflag:$0x2], $0x80, s16, s16, $0xb8;
	[tilespmem:$0x1C100] =	vst v63  }
0x49: {  	_ =	swait.ge [sflag:s15], $0x4000  }
0x4a: {  	s24 =	smov.u32 s28;
	[sflag:s15] =	ssyncset.done $0x0  }
0x4b: {  	s24 =	sadd.s32 s23, s13;
	[sflag:s15] =	ssyncadd.s32 $0xFFFFC000  }
0x4c: {  	[tilespmem:s5], [sflag:$0x2] =	stream.linear.gather [hbm4b:s24+s5], $0x80, $0x38;
	[tilespmem:$0x1C100] =	vst v63  }
0x4d: {  	_ =	swait.ge [sflag:s15], $0x80  }
0x4e: {  	[sflag:s15] =	ssyncset.done $0x0  }
0x4f: {  	s31 =	sadd.s32 s23, s12;
	[sflag:s15] =	ssyncadd.s32 $0xFFFFFF80  }
0x50: {  	[tilespmem:s16], [sflag:$0x2] =	stream.linear.gather [hbm4b:s31+s5], $0x80, $0x38;
	[tilespmem:$0x1C100] =	vst v63  }
0x51: {  	_ =	swait.ge [sflag:s15], $0x80  }
0x52: {  	[sflag:s15] =	ssyncset.done $0x0  }
0x53: {  	[sflag:s15] =	ssyncadd.s32 $0xFFFFFF80  }
0x54: {  	[tilespmem:s17], [sflag:$0x1] =	stream.indirect.gather [hbm4b:s1+s16], $0x80, s5, s16, $0xb8;
	[tilespmem:$0x1C100] =	vst v63  }
0x55: {  	_ =	swait.ge [sflag:s18], $0x4000  }
0x56: {  	[sflag:s18] =	ssyncset.done $0x0  }
0x57: {  	[sflag:s18] =	ssyncadd.s32 $0xFFFFC000  }
0x58: {  	[spmem:s3] =	stream.indirect.scatter.add.f32 [tilespmem:s17], [sflag:$0x2], $0x80, s16, s16, $0xb8;
	[tilespmem:$0x1C100] =	vst v63  }
0x59: {  	_ =	swait.ge [sflag:s15], $0x4000  }
0x5a: {  	s22 =	sadd.s32 $0x1, s22;
	[sflag:s15] =	ssyncset.done $0x0  }
0x5b: {  	p0 =	sne.s32 s22, s11;
	[sflag:s15] =	ssyncadd.s32 $0xFFFFC000  }
.Ltmp1:
0x5c: {  	[bflag:$0x0] =	sbarrier.arrive $0xFFFF;
	(pc) =	sbr.rel @p0 .LBB2_1-.Ltmp1, $4  }
0x5d: {  	[hbm:s19], [sflag:s20] =	dma.local [spmem:s21], $0x2800  }
0x5e: {  	_ =	swait.ge [sflag:s15], $0x2800  }
0x5f: {  	[sflag:s15] =	ssyncset.done $0x0  }
0x60: {  	[sflag:s15] =	ssyncadd.s32 $0xFFFFD800  }
0x61: {  	_ =	sfence.sel $0x180000  }
0x62: {  	[bflag:$0x0] =	sbarrier.arrive $0xFFFF  }
0x63: {  	p0 =	sne.s32 s4, $0x0;
	_ =	strace $0x90000047  }
0x64: {  	s0 =	sadd.s32 @!p0 $0x100000, s0;
	[bflag:$0x2] =	sbarrier.arrive $0xFFFF  }
0x65: {  	[sflag:s0] =	ssyncadd.tile.s32 @!p0 $0x1;
	_ =	shalt  }
.Lfunc_end2:
_tile_overlayer_lowered:
.L_overlay_start_2:
0x66: {  	(tag) =	ssettag $0x2  }
0x67: {  	s0 =	rddreg [dreg:$0x0];
	s2 =	stileid.u32  }
0x68: {  	s1 =	rddreg [dreg:$0x1];
	p0 =	sne.s32 s2, $0x0  }
0x69: {  	s3 =	rddreg [dreg:$0x2];
	[bflag:$0x3] =	sbarrier.arrive $0xFFFF;
	s2 =	simm.s32 @!p0 $0x1C02  }
0x6a: {  	[timem:s3], [sflag:s2] =	dma.local @!p0 [hbm:s0], s1  }
0x6b: {  	s0 =	simm.s32 @!p0 $0x2  }
0x6c: {  	_ =	swait.ge @!p0 [sflag:s0], s1  }
0x6d: {  	s1 =	ssub.s32 @!p0 $0x0, s1;
	[sflag:s0] =	ssyncset.done @!p0 $0x0  }
0x6e: {  	[sflag:s0] =	ssyncadd.s32 @!p0 s1  }
0x6f: {  	[bflag:$0x3] =	sbarrier.arrive $0xFFFF  }
0x70: {  	_ =	shalt  }

</sc_bundles>
